<compile_context>
chip_gen: v7x
topology: tpu7x:2x2x1
jax: 0.10.2.dev20260603
libtpu: 0.0.44.dev20260713+nightly
codegen_flags: <defaults>
</compile_context>

<pallas_src>
import functools

import jax
import jax.numpy as jnp
from jax import lax
from jax.experimental import pallas as pl
from jax.experimental.pallas import tpu as pltpu
from jax.experimental.pallas import tpu_sc as plsc

S_LEN = 200
BATCH = 1024
N_TOK = S_LEN * BATCH
D_WORD = 64
D_TAG = 16
D_CROSS = 2 * D_TAG
D_OUT = D_WORD + D_CROSS
POS_DICT = 50
NER_DICT = 20

NUM_CORES = 2
NUM_SUBCORES = 16
NW = NUM_CORES * NUM_SUBCORES
TOK_PER_W = N_TOK // NW
SUB = 128
NCH = TOK_PER_W // SUB
RING = 8
DEPTH = 6
LANES = 16


def _sc_embed(word_table, cross_table, idxw, idxp, idxn):
    mesh = plsc.VectorSubcoreMesh(core_axis_name="c", subcore_axis_name="s")

    @functools.partial(
        pl.kernel,
        out_type=jax.ShapeDtypeStruct((N_TOK, D_OUT), jnp.float32),
        mesh=mesh,
        scratch_types=[
            pltpu.VMEM((NCH, SUB), jnp.int32),
            pltpu.VMEM((NCH, SUB), jnp.int32),
            pltpu.VMEM((NCH, SUB), jnp.int32),
            pltpu.VMEM((NCH, SUB), jnp.int32),
            pltpu.VMEM((RING, SUB, D_WORD), jnp.float32),
            pltpu.VMEM((RING, SUB, D_CROSS), jnp.float32),
            pltpu.SemaphoreType.DMA,
            pltpu.SemaphoreType.DMA,
        ],
        compiler_params=pltpu.CompilerParams(
            use_tc_tiling_on_sc=False, disable_bounds_checks=True,
            skip_device_barrier=True
        ),
    )
    def k(wt, ct, iw, ip, inr, out, iw_v, ip_v, in_v, it_v, wbuf, tbuf, gsem, wsem):
        wid = lax.axis_index("s") * NUM_CORES + lax.axis_index("c")
        base_tok = wid * TOK_PER_W

        pltpu.sync_copy(iw.at[wid], iw_v)
        pltpu.sync_copy(ip.at[wid], ip_v)
        pltpu.sync_copy(inr.at[wid], in_v)

        def tag_body(r, c):
            for g in range(SUB // LANES):
                p = ip_v[r, pl.ds(g * LANES, LANES)]
                n = in_v[r, pl.ds(g * LANES, LANES)]
                it_v[r, pl.ds(g * LANES, LANES)] = p * NER_DICT + n
            return c

        lax.fori_loop(0, NCH, tag_body, 0)

        def fire(cg, slot):
            pltpu.make_async_copy(wt.at[iw_v.at[cg]], wbuf.at[slot], gsem).start()
            pltpu.make_async_copy(ct.at[it_v.at[cg]], tbuf.at[slot], gsem).start()

        def write_descs(slot, t0):
            return (
                pltpu.make_async_copy(
                    wbuf.at[slot], out.at[pl.ds(t0, SUB), pl.ds(0, D_WORD)], wsem
                ),
                pltpu.make_async_copy(
                    tbuf.at[slot], out.at[pl.ds(t0, SUB), pl.ds(D_WORD, D_CROSS)], wsem
                ),
            )

        for cg in range(DEPTH):
            fire(cg, cg)

        def body(ci, c):
            cg = ci + DEPTH
            slot_g = lax.rem(cg, RING)

            @pl.when(jnp.logical_and(cg < NCH, cg >= RING))
            def _():
                for d in write_descs(slot_g, base_tok):
                    d.wait()

            @pl.when(cg < NCH)
            def _():
                fire(cg, slot_g)

            slot = lax.rem(ci, RING)
            t0 = base_tok + ci * SUB
            pltpu.make_async_copy(wt.at[iw_v.at[ci]], wbuf.at[slot], gsem).wait()
            pltpu.make_async_copy(ct.at[it_v.at[ci]], tbuf.at[slot], gsem).wait()
            for d in write_descs(slot, t0):
                d.start()
            return c

        lax.fori_loop(0, NCH, body, 0)

        for _i in range(RING):
            for d in write_descs(0, base_tok):
                d.wait()

    return k(word_table, cross_table, idxw, idxp, idxn)


FB = D_OUT // 8
BB = BATCH // SUB


def _tc_pack_out(out2d):

    def body(x_ref, o_ref):
        x = x_ref[...]
        y = jnp.swapaxes(x.reshape(BB, SUB, D_OUT), 1, 2)
        o_ref[...] = (
            y.reshape(1, BB, FB, 8, SUB).swapaxes(1, 2)
        )

    return pl.pallas_call(
        body,
        grid=(S_LEN,),
        in_specs=[pl.BlockSpec((BATCH, D_OUT), lambda s: (s, 0))],
        out_specs=pl.BlockSpec(
            (1, FB, BB, 8, SUB), lambda s: (s, 0, 0, 0, 0)
        ),
        out_shape=jax.ShapeDtypeStruct((S_LEN, FB, BB, 8, SUB), jnp.float32),
    )(out2d)


def kernel(seq_word, seq_pos, seq_ner, word_table, pos_table, ner_table):
    cross = jnp.concatenate(
        [
            jnp.broadcast_to(pos_table[:, None, :], (POS_DICT, NER_DICT, D_TAG)),
            jnp.broadcast_to(ner_table[None, :, :], (POS_DICT, NER_DICT, D_TAG)),
        ],
        axis=2,
    ).reshape(POS_DICT * NER_DICT, D_CROSS)
    idxw = seq_word.reshape(NW, NCH, SUB).astype(jnp.int32)
    idxp = seq_pos.reshape(NW, NCH, SUB).astype(jnp.int32)
    idxn = seq_ner.reshape(NW, NCH, SUB).astype(jnp.int32)
    out2d = _sc_embed(word_table, cross, idxw, idxp, idxn)
    out5 = _tc_pack_out(out2d)
    return out5.transpose(0, 2, 4, 1, 3).reshape(S_LEN, BATCH, D_OUT)

# --- scband reference (transcript-rebuilt; emitter-appended) ---
"""Pipeline reference for scband-multi-embeddings-30769145708690 (READ-ONLY COPY).

The authoritative reference and input builder live on the scoring server;
editing this copy changes nothing except your own understanding.
"""

import jax, jax.numpy as jnp
import numpy as np

FULL_DICT = 1000000
INP_DIM = 64
POS_DICT = 50
NER_DICT = 20
TAG_DIM = 16
SEQ_LEN = 200
BATCH = 1024


def setup_inputs(seed: int = 0) -> dict:
    key = jax.random.key(seed)
    k1, k2, k3, k4, k5, k6 = jax.random.split(key, 6)
    seq_word = jax.random.randint(k1, (SEQ_LEN, BATCH), 0, FULL_DICT)
    seq_pos = jax.random.randint(k2, (SEQ_LEN, BATCH), 0, POS_DICT)
    seq_ner = jax.random.randint(k3, (SEQ_LEN, BATCH), 0, NER_DICT)
    word_table = jax.random.normal(k4, (FULL_DICT, INP_DIM), dtype=jnp.float32) * 0.02
    pos_table = jax.random.normal(k5, (POS_DICT, TAG_DIM), dtype=jnp.float32) * 0.02
    ner_table = jax.random.normal(k6, (NER_DICT, TAG_DIM), dtype=jnp.float32) * 0.02
    return {
        "seq_word": seq_word,
        "seq_pos": seq_pos,
        "seq_ner": seq_ner,
        "word_table": word_table,
        "pos_table": pos_table,
        "ner_table": ner_table,
    }


def reference(seq_word, seq_pos, seq_ner, word_table, pos_table, ner_table):
    # nn.Embedding lookups -> row gathers
    embedded_word = jnp.take(word_table, seq_word, axis=0)  # [S, B, INP_DIM]
    embedded_pos = jnp.take(pos_table, seq_pos, axis=0)      # [S, B, TAG_DIM]
    embedded_ner = jnp.take(ner_table, seq_ner, axis=0)      # [S, B, TAG_DIM]
    # torch.cat(..., dim=2); opt.pe is False so no positional encoding branch
    final_embedding = jnp.concatenate([embedded_word, embedded_pos, embedded_ner], axis=2)
    return final_embedding

if __name__ == "__main__":
    import jax
    _d = setup_inputs()
    print(jax.jit(kernel)(*tuple(_d.values())))

</pallas_src>

<mosaic_0001>
#map = affine_map<(d0, d1) -> (0, 0)>
#map1 = affine_map<(d0, d1) -> (0, 0, 0)>
module attributes {stable_mosaic.version = 14 : i64} {
  func.func @k(%arg0: i32, %arg1: i32, %arg2: memref<1000000x64xf32, #tpu.memory_space<hbm>>, %arg3: memref<1000x32xf32, #tpu.memory_space<hbm>>, %arg4: memref<32x50x128xi32, #tpu.memory_space<hbm>>, %arg5: memref<32x50x128xi32, #tpu.memory_space<hbm>>, %arg6: memref<32x50x128xi32, #tpu.memory_space<hbm>>, %arg7: memref<204800x96xf32, #tpu.memory_space<hbm>>, %arg8: memref<50x128xi32, #tpu.memory_space<vmem>>, %arg9: memref<50x128xi32, #tpu.memory_space<vmem>>, %arg10: memref<50x128xi32, #tpu.memory_space<vmem>>, %arg11: memref<50x128xi32, #tpu.memory_space<vmem>>, %arg12: memref<8x128x64xf32, #tpu.memory_space<vmem>>, %arg13: memref<8x128x32xf32, #tpu.memory_space<vmem>>, %arg14: memref<!tpu.dma_semaphore, #tpu.memory_space<semaphore_mem>>, %arg15: memref<!tpu.dma_semaphore, #tpu.memory_space<semaphore_mem>>) attributes {dimension_semantics = [#tpu.dimension_semantics<core_parallel>, #tpu.dimension_semantics<subcore_parallel>], iteration_bounds = array<i64: 2, 16>, scalar_prefetch = 0 : i64, scratch_operands = 8 : i64, tpu.core_type = #tpu.core_type<sc_vector_subcore>, window_params = [{transform_indices = #map}, {transform_indices = #map}, {transform_indices = #map1}, {transform_indices = #map1}, {transform_indices = #map1}, {transform_indices = #map}]} {
    %mul3A = arith.constant 2 : i32
    %mul3A_0 = arith.muli %arg1, %mul3A : i32
    %add3A = arith.addi %mul3A_0, %arg0 : i32
    %mul3A_1 = arith.constant 6400 : i32
    %mul3A_2 = arith.muli %add3A, %mul3A_1 : i32
    "tpu.region"() ({
      %run_scoped3A = tpu.sem_alloc : memref<!tpu.dma_semaphore, #tpu.memory_space<semaphore_mem>>
      %dma_start3A_364 = arith.constant 0 : i32
      %dma_start3A_365 = arith.constant 0 : i32
      %dma_start3A_366 = tpu.memref_slice %arg4[%add3A, %dma_start3A_364, %dma_start3A_365] : memref<32x50x128xi32, #tpu.memory_space<hbm>> -> memref<1x50x128xi32, #tpu.memory_space<hbm>>
      %dma_start3A_367 = tpu.memref_squeeze %dma_start3A_366 : memref<1x50x128xi32, #tpu.memory_space<hbm>> -> memref<50x128xi32, #tpu.memory_space<hbm>>
      %dma_start3A_368 = arith.constant 0 : i32
      %dma_start3A_369 = arith.constant 0 : i32
      %dma_start3A_370 = tpu.memref_slice %arg4[%add3A, %dma_start3A_368, %dma_start3A_369] : memref<32x50x128xi32, #tpu.memory_space<hbm>> -> memref<1x50x128xi32, #tpu.memory_space<hbm>>
      %dma_start3A_371 = tpu.memref_squeeze %dma_start3A_370 : memref<1x50x128xi32, #tpu.memory_space<hbm>> -> memref<50x128xi32, #tpu.memory_space<hbm>>
      tpu.enqueue_dma source(%dma_start3A_371 : memref<50x128xi32, #tpu.memory_space<hbm>>) target(%arg8 : memref<50x128xi32, #tpu.memory_space<vmem>>) target_semaphore(%run_scoped3A : memref<!tpu.dma_semaphore, #tpu.memory_space<semaphore_mem>>)
      %dma_wait3A_372 = arith.constant 0 : i32
      %dma_wait3A_373 = arith.constant 0 : i32
      %dma_wait3A_374 = tpu.memref_slice %arg4[%add3A, %dma_wait3A_372, %dma_wait3A_373] : memref<32x50x128xi32, #tpu.memory_space<hbm>> -> memref<1x50x128xi32, #tpu.memory_space<hbm>>
      %dma_wait3A_375 = tpu.memref_squeeze %dma_wait3A_374 : memref<1x50x128xi32, #tpu.memory_space<hbm>> -> memref<50x128xi32, #tpu.memory_space<hbm>>
      %dma_wait3A_376 = arith.constant 0 : i32
      %dma_wait3A_377 = arith.constant 0 : i32
      %dma_wait3A_378 = tpu.memref_slice %arg4[%add3A, %dma_wait3A_376, %dma_wait3A_377] : memref<32x50x128xi32, #tpu.memory_space<hbm>> -> memref<1x50x128xi32, #tpu.memory_space<hbm>>
      %dma_wait3A_379 = tpu.memref_squeeze %dma_wait3A_378 : memref<1x50x128xi32, #tpu.memory_space<hbm>> -> memref<50x128xi32, #tpu.memory_space<hbm>>
      tpu.wait_dma2 semaphore(%run_scoped3A : memref<!tpu.dma_semaphore, #tpu.memory_space<semaphore_mem>>) src(%dma_wait3A_379 : memref<50x128xi32, #tpu.memory_space<hbm>>) dst(%arg8 : memref<50x128xi32, #tpu.memory_space<vmem>>)
      tpu.yield
    }) : () -> ()
    "tpu.region"() ({
      %run_scoped3A = tpu.sem_alloc : memref<!tpu.dma_semaphore, #tpu.memory_space<semaphore_mem>>
      %dma_start3A_364 = arith.constant 0 : i32
      %dma_start3A_365 = arith.constant 0 : i32
      %dma_start3A_366 = tpu.memref_slice %arg5[%add3A, %dma_start3A_364, %dma_start3A_365] : memref<32x50x128xi32, #tpu.memory_space<hbm>> -> memref<1x50x128xi32, #tpu.memory_space<hbm>>
      %dma_start3A_367 = tpu.memref_squeeze %dma_start3A_366 : memref<1x50x128xi32, #tpu.memory_space<hbm>> -> memref<50x128xi32, #tpu.memory_space<hbm>>
      %dma_start3A_368 = arith.constant 0 : i32
      %dma_start3A_369 = arith.constant 0 : i32
      %dma_start3A_370 = tpu.memref_slice %arg5[%add3A, %dma_start3A_368, %dma_start3A_369] : memref<32x50x128xi32, #tpu.memory_space<hbm>> -> memref<1x50x128xi32, #tpu.memory_space<hbm>>
      %dma_start3A_371 = tpu.memref_squeeze %dma_start3A_370 : memref<1x50x128xi32, #tpu.memory_space<hbm>> -> memref<50x128xi32, #tpu.memory_space<hbm>>
      tpu.enqueue_dma source(%dma_start3A_371 : memref<50x128xi32, #tpu.memory_space<hbm>>) target(%arg9 : memref<50x128xi32, #tpu.memory_space<vmem>>) target_semaphore(%run_scoped3A : memref<!tpu.dma_semaphore, #tpu.memory_space<semaphore_mem>>)
      %dma_wait3A_372 = arith.constant 0 : i32
      %dma_wait3A_373 = arith.constant 0 : i32
      %dma_wait3A_374 = tpu.memref_slice %arg5[%add3A, %dma_wait3A_372, %dma_wait3A_373] : memref<32x50x128xi32, #tpu.memory_space<hbm>> -> memref<1x50x128xi32, #tpu.memory_space<hbm>>
      %dma_wait3A_375 = tpu.memref_squeeze %dma_wait3A_374 : memref<1x50x128xi32, #tpu.memory_space<hbm>> -> memref<50x128xi32, #tpu.memory_space<hbm>>
      %dma_wait3A_376 = arith.constant 0 : i32
      %dma_wait3A_377 = arith.constant 0 : i32
      %dma_wait3A_378 = tpu.memref_slice %arg5[%add3A, %dma_wait3A_376, %dma_wait3A_377] : memref<32x50x128xi32, #tpu.memory_space<hbm>> -> memref<1x50x128xi32, #tpu.memory_space<hbm>>
      %dma_wait3A_379 = tpu.memref_squeeze %dma_wait3A_378 : memref<1x50x128xi32, #tpu.memory_space<hbm>> -> memref<50x128xi32, #tpu.memory_space<hbm>>
      tpu.wait_dma2 semaphore(%run_scoped3A : memref<!tpu.dma_semaphore, #tpu.memory_space<semaphore_mem>>) src(%dma_wait3A_379 : memref<50x128xi32, #tpu.memory_space<hbm>>) dst(%arg9 : memref<50x128xi32, #tpu.memory_space<vmem>>)
      tpu.yield
    }) : () -> ()
    "tpu.region"() ({
      %run_scoped3A = tpu.sem_alloc : memref<!tpu.dma_semaphore, #tpu.memory_space<semaphore_mem>>
      %dma_start3A_364 = arith.constant 0 : i32
      %dma_start3A_365 = arith.constant 0 : i32
      %dma_start3A_366 = tpu.memref_slice %arg6[%add3A, %dma_start3A_364, %dma_start3A_365] : memref<32x50x128xi32, #tpu.memory_space<hbm>> -> memref<1x50x128xi32, #tpu.memory_space<hbm>>
      %dma_start3A_367 = tpu.memref_squeeze %dma_start3A_366 : memref<1x50x128xi32, #tpu.memory_space<hbm>> -> memref<50x128xi32, #tpu.memory_space<hbm>>
      %dma_start3A_368 = arith.constant 0 : i32
      %dma_start3A_369 = arith.constant 0 : i32
      %dma_start3A_370 = tpu.memref_slice %arg6[%add3A, %dma_start3A_368, %dma_start3A_369] : memref<32x50x128xi32, #tpu.memory_space<hbm>> -> memref<1x50x128xi32, #tpu.memory_space<hbm>>
      %dma_start3A_371 = tpu.memref_squeeze %dma_start3A_370 : memref<1x50x128xi32, #tpu.memory_space<hbm>> -> memref<50x128xi32, #tpu.memory_space<hbm>>
      tpu.enqueue_dma source(%dma_start3A_371 : memref<50x128xi32, #tpu.memory_space<hbm>>) target(%arg10 : memref<50x128xi32, #tpu.memory_space<vmem>>) target_semaphore(%run_scoped3A : memref<!tpu.dma_semaphore, #tpu.memory_space<semaphore_mem>>)
      %dma_wait3A_372 = arith.constant 0 : i32
      %dma_wait3A_373 = arith.constant 0 : i32
      %dma_wait3A_374 = tpu.memref_slice %arg6[%add3A, %dma_wait3A_372, %dma_wait3A_373] : memref<32x50x128xi32, #tpu.memory_space<hbm>> -> memref<1x50x128xi32, #tpu.memory_space<hbm>>
      %dma_wait3A_375 = tpu.memref_squeeze %dma_wait3A_374 : memref<1x50x128xi32, #tpu.memory_space<hbm>> -> memref<50x128xi32, #tpu.memory_space<hbm>>
      %dma_wait3A_376 = arith.constant 0 : i32
      %dma_wait3A_377 = arith.constant 0 : i32
      %dma_wait3A_378 = tpu.memref_slice %arg6[%add3A, %dma_wait3A_376, %dma_wait3A_377] : memref<32x50x128xi32, #tpu.memory_space<hbm>> -> memref<1x50x128xi32, #tpu.memory_space<hbm>>
      %dma_wait3A_379 = tpu.memref_squeeze %dma_wait3A_378 : memref<1x50x128xi32, #tpu.memory_space<hbm>> -> memref<50x128xi32, #tpu.memory_space<hbm>>
      tpu.wait_dma2 semaphore(%run_scoped3A : memref<!tpu.dma_semaphore, #tpu.memory_space<semaphore_mem>>) src(%dma_wait3A_379 : memref<50x128xi32, #tpu.memory_space<hbm>>) dst(%arg10 : memref<50x128xi32, #tpu.memory_space<vmem>>)
      tpu.yield
    }) : () -> ()
    %scan3A = arith.constant 0 : i32
    %scan3A_3 = arith.constant 0 : i32
    %scan3A_4 = arith.constant 50 : i32
    %scan3A_5 = arith.addi %scan3A_3, %scan3A_4 : i32
    %scan3A_6 = arith.constant 1 : i32
    scf.for %scan3A_364 = %scan3A_3 to %scan3A_5 step %scan3A_6  : i32 {
      %get3A = arith.index_cast %scan3A_364 : i32 to index
      %get3A_365 = arith.constant 0 : index
      %get3A_366 = tpu.vector_load %arg9[%get3A, %get3A_365] {strides = array<i32>} : memref<50x128xi32, #tpu.memory_space<vmem>>, vector<1x16xi32>,
      %get3A_367 = vector.shape_cast %get3A_366 : vector<1x16xi32> to vector<16xi32>
      %get3A_368 = arith.index_cast %scan3A_364 : i32 to index
      %get3A_369 = arith.constant 0 : index
      %get3A_370 = tpu.vector_load %arg10[%get3A_368, %get3A_369] {strides = array<i32>} : memref<50x128xi32, #tpu.memory_space<vmem>>, vector<1x16xi32>,
      %get3A_371 = vector.shape_cast %get3A_370 : vector<1x16xi32> to vector<16xi32>
      %mul3A_372 = arith.constant 20 : i32
      %mul3A_373 = vector.broadcast %mul3A_372 : i32 to vector<16xi32>
      %mul3A_374 = arith.muli %get3A_367, %mul3A_373 : vector<16xi32>
      %add3A_375 = arith.addi %mul3A_374, %get3A_371 : vector<16xi32>
      %swap3A = arith.index_cast %scan3A_364 : i32 to index
      %swap3A_376 = arith.constant 0 : index
      %swap3A_377 = tpu.vector_load %arg11[%swap3A, %swap3A_376] {strides = array<i32>} : memref<50x128xi32, #tpu.memory_space<vmem>>, vector<1x16xi32>,
      %swap3A_378 = vector.shape_cast %swap3A_377 : vector<1x16xi32> to vector<16xi32>
      %swap3A_379 = vector.shape_cast %add3A_375 : vector<16xi32> to vector<1x16xi32>
      tpu.vector_store %arg11[%swap3A, %swap3A_376], %swap3A_379 {strides = array<i32>} : memref<50x128xi32, #tpu.memory_space<vmem>>, vector<1x16xi32>,
      %get3A_380 = arith.index_cast %scan3A_364 : i32 to index
      %get3A_381 = arith.constant 16 : index
      %get3A_382 = tpu.vector_load %arg9[%get3A_380, %get3A_381] {strides = array<i32>} : memref<50x128xi32, #tpu.memory_space<vmem>>, vector<1x16xi32>,
      %get3A_383 = vector.shape_cast %get3A_382 : vector<1x16xi32> to vector<16xi32>
      %get3A_384 = arith.index_cast %scan3A_364 : i32 to index
      %get3A_385 = arith.constant 16 : index
      %get3A_386 = tpu.vector_load %arg10[%get3A_384, %get3A_385] {strides = array<i32>} : memref<50x128xi32, #tpu.memory_space<vmem>>, vector<1x16xi32>,
      %get3A_387 = vector.shape_cast %get3A_386 : vector<1x16xi32> to vector<16xi32>
      %mul3A_388 = arith.constant 20 : i32
      %mul3A_389 = vector.broadcast %mul3A_388 : i32 to vector<16xi32>
      %mul3A_390 = arith.muli %get3A_383, %mul3A_389 : vector<16xi32>
      %add3A_391 = arith.addi %mul3A_390, %get3A_387 : vector<16xi32>
      %swap3A_392 = arith.index_cast %scan3A_364 : i32 to index
      %swap3A_393 = arith.constant 16 : index
      %swap3A_394 = tpu.vector_load %arg11[%swap3A_392, %swap3A_393] {strides = array<i32>} : memref<50x128xi32, #tpu.memory_space<vmem>>, vector<1x16xi32>,
      %swap3A_395 = vector.shape_cast %swap3A_394 : vector<1x16xi32> to vector<16xi32>
      %swap3A_396 = vector.shape_cast %add3A_391 : vector<16xi32> to vector<1x16xi32>
      tpu.vector_store %arg11[%swap3A_392, %swap3A_393], %swap3A_396 {strides = array<i32>} : memref<50x128xi32, #tpu.memory_space<vmem>>, vector<1x16xi32>,
      %get3A_397 = arith.index_cast %scan3A_364 : i32 to index
      %get3A_398 = arith.constant 32 : index
      %get3A_399 = tpu.vector_load %arg9[%get3A_397, %get3A_398] {strides = array<i32>} : memref<50x128xi32, #tpu.memory_space<vmem>>, vector<1x16xi32>,
      %get3A_400 = vector.shape_cast %get3A_399 : vector<1x16xi32> to vector<16xi32>
      %get3A_401 = arith.index_cast %scan3A_364 : i32 to index
      %get3A_402 = arith.constant 32 : index
      %get3A_403 = tpu.vector_load %arg10[%get3A_401, %get3A_402] {strides = array<i32>} : memref<50x128xi32, #tpu.memory_space<vmem>>, vector<1x16xi32>,
      %get3A_404 = vector.shape_cast %get3A_403 : vector<1x16xi32> to vector<16xi32>
      %mul3A_405 = arith.constant 20 : i32
      %mul3A_406 = vector.broadcast %mul3A_405 : i32 to vector<16xi32>
      %mul3A_407 = arith.muli %get3A_400, %mul3A_406 : vector<16xi32>
      %add3A_408 = arith.addi %mul3A_407, %get3A_404 : vector<16xi32>
      %swap3A_409 = arith.index_cast %scan3A_364 : i32 to index
      %swap3A_410 = arith.constant 32 : index
      %swap3A_411 = tpu.vector_load %arg11[%swap3A_409, %swap3A_410] {strides = array<i32>} : memref<50x128xi32, #tpu.memory_space<vmem>>, vector<1x16xi32>,
      %swap3A_412 = vector.shape_cast %swap3A_411 : vector<1x16xi32> to vector<16xi32>
      %swap3A_413 = vector.shape_cast %add3A_408 : vector<16xi32> to vector<1x16xi32>
      tpu.vector_store %arg11[%swap3A_409, %swap3A_410], %swap3A_413 {strides = array<i32>} : memref<50x128xi32, #tpu.memory_space<vmem>>, vector<1x16xi32>,
      %get3A_414 = arith.index_cast %scan3A_364 : i32 to index
      %get3A_415 = arith.constant 48 : index
      %get3A_416 = tpu.vector_load %arg9[%get3A_414, %get3A_415] {strides = array<i32>} : memref<50x128xi32, #tpu.memory_space<vmem>>, vector<1x16xi32>,
      %get3A_417 = vector.shape_cast %get3A_416 : vector<1x16xi32> to vector<16xi32>
      %get3A_418 = arith.index_cast %scan3A_364 : i32 to index
      %get3A_419 = arith.constant 48 : index
      %get3A_420 = tpu.vector_load %arg10[%get3A_418, %get3A_419] {strides = array<i32>} : memref<50x128xi32, #tpu.memory_space<vmem>>, vector<1x16xi32>,
      %get3A_421 = vector.shape_cast %get3A_420 : vector<1x16xi32> to vector<16xi32>
      %mul3A_422 = arith.constant 20 : i32
      %mul3A_423 = vector.broadcast %mul3A_422 : i32 to vector<16xi32>
      %mul3A_424 = arith.muli %get3A_417, %mul3A_423 : vector<16xi32>
      %add3A_425 = arith.addi %mul3A_424, %get3A_421 : vector<16xi32>
      %swap3A_426 = arith.index_cast %scan3A_364 : i32 to index
      %swap3A_427 = arith.constant 48 : index
      %swap3A_428 = tpu.vector_load %arg11[%swap3A_426, %swap3A_427] {strides = array<i32>} : memref<50x128xi32, #tpu.memory_space<vmem>>, vector<1x16xi32>,
      %swap3A_429 = vector.shape_cast %swap3A_428 : vector<1x16xi32> to vector<16xi32>
      %swap3A_430 = vector.shape_cast %add3A_425 : vector<16xi32> to vector<1x16xi32>
      tpu.vector_store %arg11[%swap3A_426, %swap3A_427], %swap3A_430 {strides = array<i32>} : memref<50x128xi32, #tpu.memory_space<vmem>>, vector<1x16xi32>,
      %get3A_431 = arith.index_cast %scan3A_364 : i32 to index
      %get3A_432 = arith.constant 64 : index
      %get3A_433 = tpu.vector_load %arg9[%get3A_431, %get3A_432] {strides = array<i32>} : memref<50x128xi32, #tpu.memory_space<vmem>>, vector<1x16xi32>,
      %get3A_434 = vector.shape_cast %get3A_433 : vector<1x16xi32> to vector<16xi32>
      %get3A_435 = arith.index_cast %scan3A_364 : i32 to index
      %get3A_436 = arith.constant 64 : index
      %get3A_437 = tpu.vector_load %arg10[%get3A_435, %get3A_436] {strides = array<i32>} : memref<50x128xi32, #tpu.memory_space<vmem>>, vector<1x16xi32>,
      %get3A_438 = vector.shape_cast %get3A_437 : vector<1x16xi32> to vector<16xi32>
      %mul3A_439 = arith.constant 20 : i32
      %mul3A_440 = vector.broadcast %mul3A_439 : i32 to vector<16xi32>
      %mul3A_441 = arith.muli %get3A_434, %mul3A_440 : vector<16xi32>
      %add3A_442 = arith.addi %mul3A_441, %get3A_438 : vector<16xi32>
      %swap3A_443 = arith.index_cast %scan3A_364 : i32 to index
      %swap3A_444 = arith.constant 64 : index
      %swap3A_445 = tpu.vector_load %arg11[%swap3A_443, %swap3A_444] {strides = array<i32>} : memref<50x128xi32, #tpu.memory_space<vmem>>, vector<1x16xi32>,
      %swap3A_446 = vector.shape_cast %swap3A_445 : vector<1x16xi32> to vector<16xi32>
      %swap3A_447 = vector.shape_cast %add3A_442 : vector<16xi32> to vector<1x16xi32>
      tpu.vector_store %arg11[%swap3A_443, %swap3A_444], %swap3A_447 {strides = array<i32>} : memref<50x128xi32, #tpu.memory_space<vmem>>, vector<1x16xi32>,
      %get3A_448 = arith.index_cast %scan3A_364 : i32 to index
      %get3A_449 = arith.constant 80 : index
      %get3A_450 = tpu.vector_load %arg9[%get3A_448, %get3A_449] {strides = array<i32>} : memref<50x128xi32, #tpu.memory_space<vmem>>, vector<1x16xi32>,
      %get3A_451 = vector.shape_cast %get3A_450 : vector<1x16xi32> to vector<16xi32>
      %get3A_452 = arith.index_cast %scan3A_364 : i32 to index
      %get3A_453 = arith.constant 80 : index
      %get3A_454 = tpu.vector_load %arg10[%get3A_452, %get3A_453] {strides = array<i32>} : memref<50x128xi32, #tpu.memory_space<vmem>>, vector<1x16xi32>,
      %get3A_455 = vector.shape_cast %get3A_454 : vector<1x16xi32> to vector<16xi32>
      %mul3A_456 = arith.constant 20 : i32
      %mul3A_457 = vector.broadcast %mul3A_456 : i32 to vector<16xi32>
      %mul3A_458 = arith.muli %get3A_451, %mul3A_457 : vector<16xi32>
      %add3A_459 = arith.addi %mul3A_458, %get3A_455 : vector<16xi32>
      %swap3A_460 = arith.index_cast %scan3A_364 : i32 to index
      %swap3A_461 = arith.constant 80 : index
      %swap3A_462 = tpu.vector_load %arg11[%swap3A_460, %swap3A_461] {strides = array<i32>} : memref<50x128xi32, #tpu.memory_space<vmem>>, vector<1x16xi32>,
      %swap3A_463 = vector.shape_cast %swap3A_462 : vector<1x16xi32> to vector<16xi32>
      %swap3A_464 = vector.shape_cast %add3A_459 : vector<16xi32> to vector<1x16xi32>
      tpu.vector_store %arg11[%swap3A_460, %swap3A_461], %swap3A_464 {strides = array<i32>} : memref<50x128xi32, #tpu.memory_space<vmem>>, vector<1x16xi32>,
      %get3A_465 = arith.index_cast %scan3A_364 : i32 to index
      %get3A_466 = arith.constant 96 : index
      %get3A_467 = tpu.vector_load %arg9[%get3A_465, %get3A_466] {strides = array<i32>} : memref<50x128xi32, #tpu.memory_space<vmem>>, vector<1x16xi32>,
      %get3A_468 = vector.shape_cast %get3A_467 : vector<1x16xi32> to vector<16xi32>
      %get3A_469 = arith.index_cast %scan3A_364 : i32 to index
      %get3A_470 = arith.constant 96 : index
      %get3A_471 = tpu.vector_load %arg10[%get3A_469, %get3A_470] {strides = array<i32>} : memref<50x128xi32, #tpu.memory_space<vmem>>, vector<1x16xi32>,
      %get3A_472 = vector.shape_cast %get3A_471 : vector<1x16xi32> to vector<16xi32>
      %mul3A_473 = arith.constant 20 : i32
      %mul3A_474 = vector.broadcast %mul3A_473 : i32 to vector<16xi32>
      %mul3A_475 = arith.muli %get3A_468, %mul3A_474 : vector<16xi32>
      %add3A_476 = arith.addi %mul3A_475, %get3A_472 : vector<16xi32>
      %swap3A_477 = arith.index_cast %scan3A_364 : i32 to index
      %swap3A_478 = arith.constant 96 : index
      %swap3A_479 = tpu.vector_load %arg11[%swap3A_477, %swap3A_478] {strides = array<i32>} : memref<50x128xi32, #tpu.memory_space<vmem>>, vector<1x16xi32>,
      %swap3A_480 = vector.shape_cast %swap3A_479 : vector<1x16xi32> to vector<16xi32>
      %swap3A_481 = vector.shape_cast %add3A_476 : vector<16xi32> to vector<1x16xi32>
      tpu.vector_store %arg11[%swap3A_477, %swap3A_478], %swap3A_481 {strides = array<i32>} : memref<50x128xi32, #tpu.memory_space<vmem>>, vector<1x16xi32>,
      %get3A_482 = arith.index_cast %scan3A_364 : i32 to index
      %get3A_483 = arith.constant 112 : index
      %get3A_484 = tpu.vector_load %arg9[%get3A_482, %get3A_483] {strides = array<i32>} : memref<50x128xi32, #tpu.memory_space<vmem>>, vector<1x16xi32>,
      %get3A_485 = vector.shape_cast %get3A_484 : vector<1x16xi32> to vector<16xi32>
      %get3A_486 = arith.index_cast %scan3A_364 : i32 to index
      %get3A_487 = arith.constant 112 : index
      %get3A_488 = tpu.vector_load %arg10[%get3A_486, %get3A_487] {strides = array<i32>} : memref<50x128xi32, #tpu.memory_space<vmem>>, vector<1x16xi32>,
      %get3A_489 = vector.shape_cast %get3A_488 : vector<1x16xi32> to vector<16xi32>
      %mul3A_490 = arith.constant 20 : i32
      %mul3A_491 = vector.broadcast %mul3A_490 : i32 to vector<16xi32>
      %mul3A_492 = arith.muli %get3A_485, %mul3A_491 : vector<16xi32>
      %add3A_493 = arith.addi %mul3A_492, %get3A_489 : vector<16xi32>
      %swap3A_494 = arith.index_cast %scan3A_364 : i32 to index
      %swap3A_495 = arith.constant 112 : index
      %swap3A_496 = tpu.vector_load %arg11[%swap3A_494, %swap3A_495] {strides = array<i32>} : memref<50x128xi32, #tpu.memory_space<vmem>>, vector<1x16xi32>,
      %swap3A_497 = vector.shape_cast %swap3A_496 : vector<1x16xi32> to vector<16xi32>
      %swap3A_498 = vector.shape_cast %add3A_493 : vector<16xi32> to vector<1x16xi32>
      tpu.vector_store %arg11[%swap3A_494, %swap3A_495], %swap3A_498 {strides = array<i32>} : memref<50x128xi32, #tpu.memory_space<vmem>>, vector<1x16xi32>,
    }
    %scan3A_7 = arith.constant 50 : i32
    %dma_start3A = arith.constant 0 : i32
    %dma_start3A_8 = arith.constant 0 : i32
    %dma_start3A_9 = arith.constant 0 : i32
    %dma_start3A_10 = arith.constant 0 : i32
    %dma_start3A_11 = tpu.memref_slice %arg12[%dma_start3A_8, %dma_start3A_9, %dma_start3A_10] : memref<8x128x64xf32, #tpu.memory_space<vmem>> -> memref<1x128x64xf32, #tpu.memory_space<vmem>>
    %dma_start3A_12 = tpu.memref_squeeze %dma_start3A_11 : memref<1x128x64xf32, #tpu.memory_space<vmem>> -> memref<128x64xf32, #tpu.memory_space<vmem>>
    %dma_start3A_13 = arith.constant 0 : i32
    %dma_start3A_14 = tpu.memref_slice %arg8[%dma_start3A, %dma_start3A_13] : memref<50x128xi32, #tpu.memory_space<vmem>> -> memref<1x128xi32, #tpu.memory_space<vmem>>
    %dma_start3A_15 = tpu.memref_squeeze %dma_start3A_14 : memref<1x128xi32, #tpu.memory_space<vmem>> -> memref<128xi32, #tpu.memory_space<vmem>>
    %dma_start3A_16 = arith.constant 0 : i32
    %dma_start3A_17 = arith.constant 0 : i32
    %dma_start3A_18 = tpu.memref_slice %arg2[%dma_start3A_16, %dma_start3A_17] : memref<1000000x64xf32, #tpu.memory_space<hbm>> -> memref<1000000x64xf32, #tpu.memory_space<hbm>>
    tpu.enqueue_indirect_dma source(%dma_start3A_18 : memref<1000000x64xf32, #tpu.memory_space<hbm>>) target(%dma_start3A_12 : memref<128x64xf32, #tpu.memory_space<vmem>>) offsets(%dma_start3A_15 : memref<128xi32, #tpu.memory_space<vmem>>) semaphore(%arg14 : memref<!tpu.dma_semaphore, #tpu.memory_space<semaphore_mem>>)
    %dma_start3A_19 = arith.constant 0 : i32
    %dma_start3A_20 = arith.constant 0 : i32
    %dma_start3A_21 = arith.constant 0 : i32
    %dma_start3A_22 = arith.constant 0 : i32
    %dma_start3A_23 = tpu.memref_slice %arg13[%dma_start3A_20, %dma_start3A_21, %dma_start3A_22] : memref<8x128x32xf32, #tpu.memory_space<vmem>> -> memref<1x128x32xf32, #tpu.memory_space<vmem>>
    %dma_start3A_24 = tpu.memref_squeeze %dma_start3A_23 : memref<1x128x32xf32, #tpu.memory_space<vmem>> -> memref<128x32xf32, #tpu.memory_space<vmem>>
    %dma_start3A_25 = arith.constant 0 : i32
    %dma_start3A_26 = tpu.memref_slice %arg11[%dma_start3A_19, %dma_start3A_25] : memref<50x128xi32, #tpu.memory_space<vmem>> -> memref<1x128xi32, #tpu.memory_space<vmem>>
    %dma_start3A_27 = tpu.memref_squeeze %dma_start3A_26 : memref<1x128xi32, #tpu.memory_space<vmem>> -> memref<128xi32, #tpu.memory_space<vmem>>
    %dma_start3A_28 = arith.constant 0 : i32
    %dma_start3A_29 = arith.constant 0 : i32
    %dma_start3A_30 = tpu.memref_slice %arg3[%dma_start3A_28, %dma_start3A_29] : memref<1000x32xf32, #tpu.memory_space<hbm>> -> memref<1000x32xf32, #tpu.memory_space<hbm>>
    tpu.enqueue_indirect_dma source(%dma_start3A_30 : memref<1000x32xf32, #tpu.memory_space<hbm>>) target(%dma_start3A_24 : memref<128x32xf32, #tpu.memory_space<vmem>>) offsets(%dma_start3A_27 : memref<128xi32, #tpu.memory_space<vmem>>) semaphore(%arg14 : memref<!tpu.dma_semaphore, #tpu.memory_space<semaphore_mem>>)
    %dma_start3A_31 = arith.constant 1 : i32
    %dma_start3A_32 = arith.constant 1 : i32
    %dma_start3A_33 = arith.constant 0 : i32
    %dma_start3A_34 = arith.constant 0 : i32
    %dma_start3A_35 = tpu.memref_slice %arg12[%dma_start3A_32, %dma_start3A_33, %dma_start3A_34] : memref<8x128x64xf32, #tpu.memory_space<vmem>> -> memref<1x128x64xf32, #tpu.memory_space<vmem>>
    %dma_start3A_36 = tpu.memref_squeeze %dma_start3A_35 : memref<1x128x64xf32, #tpu.memory_space<vmem>> -> memref<128x64xf32, #tpu.memory_space<vmem>>
    %dma_start3A_37 = arith.constant 0 : i32
    %dma_start3A_38 = tpu.memref_slice %arg8[%dma_start3A_31, %dma_start3A_37] : memref<50x128xi32, #tpu.memory_space<vmem>> -> memref<1x128xi32, #tpu.memory_space<vmem>>
    %dma_start3A_39 = tpu.memref_squeeze %dma_start3A_38 : memref<1x128xi32, #tpu.memory_space<vmem>> -> memref<128xi32, #tpu.memory_space<vmem>>
    %dma_start3A_40 = arith.constant 0 : i32
    %dma_start3A_41 = arith.constant 0 : i32
    %dma_start3A_42 = tpu.memref_slice %arg2[%dma_start3A_40, %dma_start3A_41] : memref<1000000x64xf32, #tpu.memory_space<hbm>> -> memref<1000000x64xf32, #tpu.memory_space<hbm>>
    tpu.enqueue_indirect_dma source(%dma_start3A_42 : memref<1000000x64xf32, #tpu.memory_space<hbm>>) target(%dma_start3A_36 : memref<128x64xf32, #tpu.memory_space<vmem>>) offsets(%dma_start3A_39 : memref<128xi32, #tpu.memory_space<vmem>>) semaphore(%arg14 : memref<!tpu.dma_semaphore, #tpu.memory_space<semaphore_mem>>)
    %dma_start3A_43 = arith.constant 1 : i32
    %dma_start3A_44 = arith.constant 1 : i32
    %dma_start3A_45 = arith.constant 0 : i32
    %dma_start3A_46 = arith.constant 0 : i32
    %dma_start3A_47 = tpu.memref_slice %arg13[%dma_start3A_44, %dma_start3A_45, %dma_start3A_46] : memref<8x128x32xf32, #tpu.memory_space<vmem>> -> memref<1x128x32xf32, #tpu.memory_space<vmem>>
    %dma_start3A_48 = tpu.memref_squeeze %dma_start3A_47 : memref<1x128x32xf32, #tpu.memory_space<vmem>> -> memref<128x32xf32, #tpu.memory_space<vmem>>
    %dma_start3A_49 = arith.constant 0 : i32
    %dma_start3A_50 = tpu.memref_slice %arg11[%dma_start3A_43, %dma_start3A_49] : memref<50x128xi32, #tpu.memory_space<vmem>> -> memref<1x128xi32, #tpu.memory_space<vmem>>
    %dma_start3A_51 = tpu.memref_squeeze %dma_start3A_50 : memref<1x128xi32, #tpu.memory_space<vmem>> -> memref<128xi32, #tpu.memory_space<vmem>>
    %dma_start3A_52 = arith.constant 0 : i32
    %dma_start3A_53 = arith.constant 0 : i32
    %dma_start3A_54 = tpu.memref_slice %arg3[%dma_start3A_52, %dma_start3A_53] : memref<1000x32xf32, #tpu.memory_space<hbm>> -> memref<1000x32xf32, #tpu.memory_space<hbm>>
    tpu.enqueue_indirect_dma source(%dma_start3A_54 : memref<1000x32xf32, #tpu.memory_space<hbm>>) target(%dma_start3A_48 : memref<128x32xf32, #tpu.memory_space<vmem>>) offsets(%dma_start3A_51 : memref<128xi32, #tpu.memory_space<vmem>>) semaphore(%arg14 : memref<!tpu.dma_semaphore, #tpu.memory_space<semaphore_mem>>)
    %dma_start3A_55 = arith.constant 2 : i32
    %dma_start3A_56 = arith.constant 2 : i32
    %dma_start3A_57 = arith.constant 0 : i32
    %dma_start3A_58 = arith.constant 0 : i32
    %dma_start3A_59 = tpu.memref_slice %arg12[%dma_start3A_56, %dma_start3A_57, %dma_start3A_58] : memref<8x128x64xf32, #tpu.memory_space<vmem>> -> memref<1x128x64xf32, #tpu.memory_space<vmem>>
    %dma_start3A_60 = tpu.memref_squeeze %dma_start3A_59 : memref<1x128x64xf32, #tpu.memory_space<vmem>> -> memref<128x64xf32, #tpu.memory_space<vmem>>
    %dma_start3A_61 = arith.constant 0 : i32
    %dma_start3A_62 = tpu.memref_slice %arg8[%dma_start3A_55, %dma_start3A_61] : memref<50x128xi32, #tpu.memory_space<vmem>> -> memref<1x128xi32, #tpu.memory_space<vmem>>
    %dma_start3A_63 = tpu.memref_squeeze %dma_start3A_62 : memref<1x128xi32, #tpu.memory_space<vmem>> -> memref<128xi32, #tpu.memory_space<vmem>>
    %dma_start3A_64 = arith.constant 0 : i32
    %dma_start3A_65 = arith.constant 0 : i32
    %dma_start3A_66 = tpu.memref_slice %arg2[%dma_start3A_64, %dma_start3A_65] : memref<1000000x64xf32, #tpu.memory_space<hbm>> -> memref<1000000x64xf32, #tpu.memory_space<hbm>>
    tpu.enqueue_indirect_dma source(%dma_start3A_66 : memref<1000000x64xf32, #tpu.memory_space<hbm>>) target(%dma_start3A_60 : memref<128x64xf32, #tpu.memory_space<vmem>>) offsets(%dma_start3A_63 : memref<128xi32, #tpu.memory_space<vmem>>) semaphore(%arg14 : memref<!tpu.dma_semaphore, #tpu.memory_space<semaphore_mem>>)
    %dma_start3A_67 = arith.constant 2 : i32
    %dma_start3A_68 = arith.constant 2 : i32
    %dma_start3A_69 = arith.constant 0 : i32
    %dma_start3A_70 = arith.constant 0 : i32
    %dma_start3A_71 = tpu.memref_slice %arg13[%dma_start3A_68, %dma_start3A_69, %dma_start3A_70] : memref<8x128x32xf32, #tpu.memory_space<vmem>> -> memref<1x128x32xf32, #tpu.memory_space<vmem>>
    %dma_start3A_72 = tpu.memref_squeeze %dma_start3A_71 : memref<1x128x32xf32, #tpu.memory_space<vmem>> -> memref<128x32xf32, #tpu.memory_space<vmem>>
    %dma_start3A_73 = arith.constant 0 : i32
    %dma_start3A_74 = tpu.memref_slice %arg11[%dma_start3A_67, %dma_start3A_73] : memref<50x128xi32, #tpu.memory_space<vmem>> -> memref<1x128xi32, #tpu.memory_space<vmem>>
    %dma_start3A_75 = tpu.memref_squeeze %dma_start3A_74 : memref<1x128xi32, #tpu.memory_space<vmem>> -> memref<128xi32, #tpu.memory_space<vmem>>
    %dma_start3A_76 = arith.constant 0 : i32
    %dma_start3A_77 = arith.constant 0 : i32
    %dma_start3A_78 = tpu.memref_slice %arg3[%dma_start3A_76, %dma_start3A_77] : memref<1000x32xf32, #tpu.memory_space<hbm>> -> memref<1000x32xf32, #tpu.memory_space<hbm>>
    tpu.enqueue_indirect_dma source(%dma_start3A_78 : memref<1000x32xf32, #tpu.memory_space<hbm>>) target(%dma_start3A_72 : memref<128x32xf32, #tpu.memory_space<vmem>>) offsets(%dma_start3A_75 : memref<128xi32, #tpu.memory_space<vmem>>) semaphore(%arg14 : memref<!tpu.dma_semaphore, #tpu.memory_space<semaphore_mem>>)
    %dma_start3A_79 = arith.constant 3 : i32
    %dma_start3A_80 = arith.constant 3 : i32
    %dma_start3A_81 = arith.constant 0 : i32
    %dma_start3A_82 = arith.constant 0 : i32
    %dma_start3A_83 = tpu.memref_slice %arg12[%dma_start3A_80, %dma_start3A_81, %dma_start3A_82] : memref<8x128x64xf32, #tpu.memory_space<vmem>> -> memref<1x128x64xf32, #tpu.memory_space<vmem>>
    %dma_start3A_84 = tpu.memref_squeeze %dma_start3A_83 : memref<1x128x64xf32, #tpu.memory_space<vmem>> -> memref<128x64xf32, #tpu.memory_space<vmem>>
    %dma_start3A_85 = arith.constant 0 : i32
    %dma_start3A_86 = tpu.memref_slice %arg8[%dma_start3A_79, %dma_start3A_85] : memref<50x128xi32, #tpu.memory_space<vmem>> -> memref<1x128xi32, #tpu.memory_space<vmem>>
    %dma_start3A_87 = tpu.memref_squeeze %dma_start3A_86 : memref<1x128xi32, #tpu.memory_space<vmem>> -> memref<128xi32, #tpu.memory_space<vmem>>
    %dma_start3A_88 = arith.constant 0 : i32
    %dma_start3A_89 = arith.constant 0 : i32
    %dma_start3A_90 = tpu.memref_slice %arg2[%dma_start3A_88, %dma_start3A_89] : memref<1000000x64xf32, #tpu.memory_space<hbm>> -> memref<1000000x64xf32, #tpu.memory_space<hbm>>
    tpu.enqueue_indirect_dma source(%dma_start3A_90 : memref<1000000x64xf32, #tpu.memory_space<hbm>>) target(%dma_start3A_84 : memref<128x64xf32, #tpu.memory_space<vmem>>) offsets(%dma_start3A_87 : memref<128xi32, #tpu.memory_space<vmem>>) semaphore(%arg14 : memref<!tpu.dma_semaphore, #tpu.memory_space<semaphore_mem>>)
    %dma_start3A_91 = arith.constant 3 : i32
    %dma_start3A_92 = arith.constant 3 : i32
    %dma_start3A_93 = arith.constant 0 : i32
    %dma_start3A_94 = arith.constant 0 : i32
    %dma_start3A_95 = tpu.memref_slice %arg13[%dma_start3A_92, %dma_start3A_93, %dma_start3A_94] : memref<8x128x32xf32, #tpu.memory_space<vmem>> -> memref<1x128x32xf32, #tpu.memory_space<vmem>>
    %dma_start3A_96 = tpu.memref_squeeze %dma_start3A_95 : memref<1x128x32xf32, #tpu.memory_space<vmem>> -> memref<128x32xf32, #tpu.memory_space<vmem>>
    %dma_start3A_97 = arith.constant 0 : i32
    %dma_start3A_98 = tpu.memref_slice %arg11[%dma_start3A_91, %dma_start3A_97] : memref<50x128xi32, #tpu.memory_space<vmem>> -> memref<1x128xi32, #tpu.memory_space<vmem>>
    %dma_start3A_99 = tpu.memref_squeeze %dma_start3A_98 : memref<1x128xi32, #tpu.memory_space<vmem>> -> memref<128xi32, #tpu.memory_space<vmem>>
    %dma_start3A_100 = arith.constant 0 : i32
    %dma_start3A_101 = arith.constant 0 : i32
    %dma_start3A_102 = tpu.memref_slice %arg3[%dma_start3A_100, %dma_start3A_101] : memref<1000x32xf32, #tpu.memory_space<hbm>> -> memref<1000x32xf32, #tpu.memory_space<hbm>>
    tpu.enqueue_indirect_dma source(%dma_start3A_102 : memref<1000x32xf32, #tpu.memory_space<hbm>>) target(%dma_start3A_96 : memref<128x32xf32, #tpu.memory_space<vmem>>) offsets(%dma_start3A_99 : memref<128xi32, #tpu.memory_space<vmem>>) semaphore(%arg14 : memref<!tpu.dma_semaphore, #tpu.memory_space<semaphore_mem>>)
    %dma_start3A_103 = arith.constant 4 : i32
    %dma_start3A_104 = arith.constant 4 : i32
    %dma_start3A_105 = arith.constant 0 : i32
    %dma_start3A_106 = arith.constant 0 : i32
    %dma_start3A_107 = tpu.memref_slice %arg12[%dma_start3A_104, %dma_start3A_105, %dma_start3A_106] : memref<8x128x64xf32, #tpu.memory_space<vmem>> -> memref<1x128x64xf32, #tpu.memory_space<vmem>>
    %dma_start3A_108 = tpu.memref_squeeze %dma_start3A_107 : memref<1x128x64xf32, #tpu.memory_space<vmem>> -> memref<128x64xf32, #tpu.memory_space<vmem>>
    %dma_start3A_109 = arith.constant 0 : i32
    %dma_start3A_110 = tpu.memref_slice %arg8[%dma_start3A_103, %dma_start3A_109] : memref<50x128xi32, #tpu.memory_space<vmem>> -> memref<1x128xi32, #tpu.memory_space<vmem>>
    %dma_start3A_111 = tpu.memref_squeeze %dma_start3A_110 : memref<1x128xi32, #tpu.memory_space<vmem>> -> memref<128xi32, #tpu.memory_space<vmem>>
    %dma_start3A_112 = arith.constant 0 : i32
    %dma_start3A_113 = arith.constant 0 : i32
    %dma_start3A_114 = tpu.memref_slice %arg2[%dma_start3A_112, %dma_start3A_113] : memref<1000000x64xf32, #tpu.memory_space<hbm>> -> memref<1000000x64xf32, #tpu.memory_space<hbm>>
    tpu.enqueue_indirect_dma source(%dma_start3A_114 : memref<1000000x64xf32, #tpu.memory_space<hbm>>) target(%dma_start3A_108 : memref<128x64xf32, #tpu.memory_space<vmem>>) offsets(%dma_start3A_111 : memref<128xi32, #tpu.memory_space<vmem>>) semaphore(%arg14 : memref<!tpu.dma_semaphore, #tpu.memory_space<semaphore_mem>>)
    %dma_start3A_115 = arith.constant 4 : i32
    %dma_start3A_116 = arith.constant 4 : i32
    %dma_start3A_117 = arith.constant 0 : i32
    %dma_start3A_118 = arith.constant 0 : i32
    %dma_start3A_119 = tpu.memref_slice %arg13[%dma_start3A_116, %dma_start3A_117, %dma_start3A_118] : memref<8x128x32xf32, #tpu.memory_space<vmem>> -> memref<1x128x32xf32, #tpu.memory_space<vmem>>
    %dma_start3A_120 = tpu.memref_squeeze %dma_start3A_119 : memref<1x128x32xf32, #tpu.memory_space<vmem>> -> memref<128x32xf32, #tpu.memory_space<vmem>>
    %dma_start3A_121 = arith.constant 0 : i32
    %dma_start3A_122 = tpu.memref_slice %arg11[%dma_start3A_115, %dma_start3A_121] : memref<50x128xi32, #tpu.memory_space<vmem>> -> memref<1x128xi32, #tpu.memory_space<vmem>>
    %dma_start3A_123 = tpu.memref_squeeze %dma_start3A_122 : memref<1x128xi32, #tpu.memory_space<vmem>> -> memref<128xi32, #tpu.memory_space<vmem>>
    %dma_start3A_124 = arith.constant 0 : i32
    %dma_start3A_125 = arith.constant 0 : i32
    %dma_start3A_126 = tpu.memref_slice %arg3[%dma_start3A_124, %dma_start3A_125] : memref<1000x32xf32, #tpu.memory_space<hbm>> -> memref<1000x32xf32, #tpu.memory_space<hbm>>
    tpu.enqueue_indirect_dma source(%dma_start3A_126 : memref<1000x32xf32, #tpu.memory_space<hbm>>) target(%dma_start3A_120 : memref<128x32xf32, #tpu.memory_space<vmem>>) offsets(%dma_start3A_123 : memref<128xi32, #tpu.memory_space<vmem>>) semaphore(%arg14 : memref<!tpu.dma_semaphore, #tpu.memory_space<semaphore_mem>>)
    %dma_start3A_127 = arith.constant 5 : i32
    %dma_start3A_128 = arith.constant 5 : i32
    %dma_start3A_129 = arith.constant 0 : i32
    %dma_start3A_130 = arith.constant 0 : i32
    %dma_start3A_131 = tpu.memref_slice %arg12[%dma_start3A_128, %dma_start3A_129, %dma_start3A_130] : memref<8x128x64xf32, #tpu.memory_space<vmem>> -> memref<1x128x64xf32, #tpu.memory_space<vmem>>
    %dma_start3A_132 = tpu.memref_squeeze %dma_start3A_131 : memref<1x128x64xf32, #tpu.memory_space<vmem>> -> memref<128x64xf32, #tpu.memory_space<vmem>>
    %dma_start3A_133 = arith.constant 0 : i32
    %dma_start3A_134 = tpu.memref_slice %arg8[%dma_start3A_127, %dma_start3A_133] : memref<50x128xi32, #tpu.memory_space<vmem>> -> memref<1x128xi32, #tpu.memory_space<vmem>>
    %dma_start3A_135 = tpu.memref_squeeze %dma_start3A_134 : memref<1x128xi32, #tpu.memory_space<vmem>> -> memref<128xi32, #tpu.memory_space<vmem>>
    %dma_start3A_136 = arith.constant 0 : i32
    %dma_start3A_137 = arith.constant 0 : i32
    %dma_start3A_138 = tpu.memref_slice %arg2[%dma_start3A_136, %dma_start3A_137] : memref<1000000x64xf32, #tpu.memory_space<hbm>> -> memref<1000000x64xf32, #tpu.memory_space<hbm>>
    tpu.enqueue_indirect_dma source(%dma_start3A_138 : memref<1000000x64xf32, #tpu.memory_space<hbm>>) target(%dma_start3A_132 : memref<128x64xf32, #tpu.memory_space<vmem>>) offsets(%dma_start3A_135 : memref<128xi32, #tpu.memory_space<vmem>>) semaphore(%arg14 : memref<!tpu.dma_semaphore, #tpu.memory_space<semaphore_mem>>)
    %dma_start3A_139 = arith.constant 5 : i32
    %dma_start3A_140 = arith.constant 5 : i32
    %dma_start3A_141 = arith.constant 0 : i32
    %dma_start3A_142 = arith.constant 0 : i32
    %dma_start3A_143 = tpu.memref_slice %arg13[%dma_start3A_140, %dma_start3A_141, %dma_start3A_142] : memref<8x128x32xf32, #tpu.memory_space<vmem>> -> memref<1x128x32xf32, #tpu.memory_space<vmem>>
    %dma_start3A_144 = tpu.memref_squeeze %dma_start3A_143 : memref<1x128x32xf32, #tpu.memory_space<vmem>> -> memref<128x32xf32, #tpu.memory_space<vmem>>
    %dma_start3A_145 = arith.constant 0 : i32
    %dma_start3A_146 = tpu.memref_slice %arg11[%dma_start3A_139, %dma_start3A_145] : memref<50x128xi32, #tpu.memory_space<vmem>> -> memref<1x128xi32, #tpu.memory_space<vmem>>
    %dma_start3A_147 = tpu.memref_squeeze %dma_start3A_146 : memref<1x128xi32, #tpu.memory_space<vmem>> -> memref<128xi32, #tpu.memory_space<vmem>>
    %dma_start3A_148 = arith.constant 0 : i32
    %dma_start3A_149 = arith.constant 0 : i32
    %dma_start3A_150 = tpu.memref_slice %arg3[%dma_start3A_148, %dma_start3A_149] : memref<1000x32xf32, #tpu.memory_space<hbm>> -> memref<1000x32xf32, #tpu.memory_space<hbm>>
    tpu.enqueue_indirect_dma source(%dma_start3A_150 : memref<1000x32xf32, #tpu.memory_space<hbm>>) target(%dma_start3A_144 : memref<128x32xf32, #tpu.memory_space<vmem>>) offsets(%dma_start3A_147 : memref<128xi32, #tpu.memory_space<vmem>>) semaphore(%arg14 : memref<!tpu.dma_semaphore, #tpu.memory_space<semaphore_mem>>)
    %scan3A_151 = arith.constant 0 : i32
    %scan3A_152 = arith.constant 0 : i32
    %scan3A_153 = arith.constant 50 : i32
    %scan3A_154 = arith.addi %scan3A_152, %scan3A_153 : i32
    %scan3A_155 = arith.constant 1 : i32
    scf.for %scan3A_364 = %scan3A_152 to %scan3A_154 step %scan3A_155  : i32 {
      %add3A_365 = arith.constant 6 : i32
      %add3A_366 = arith.addi %scan3A_364, %add3A_365 : i32
      %rem3A = arith.constant 8 : i32
      %rem3A_367 = arith.remsi %add3A_366, %rem3A : i32
      %lt3A = arith.constant 50 : i32
      %lt3A_368 = arith.cmpi slt, %add3A_366, %lt3A : i32
      %ge3A = arith.constant 8 : i32
      %ge3A_369 = arith.cmpi sge, %add3A_366, %ge3A : i32
      %and3A = arith.andi %lt3A_368, %ge3A_369 : i1
      %convert_element_type3A = arith.extui %and3A : i1 to i32
      %cond3A = arith.constant 0 : i32
      %cond3A_370 = arith.cmpi ne, %convert_element_type3A, %cond3A : i32
      scf.if %cond3A_370 {
        %dma_wait3A_425 = arith.constant 0 : i32
        %dma_wait3A_426 = arith.constant 0 : i32
        %dma_wait3A_427 = tpu.memref_slice %arg12[%rem3A_367, %dma_wait3A_425, %dma_wait3A_426] : memref<8x128x64xf32, #tpu.memory_space<vmem>> -> memref<1x128x64xf32, #tpu.memory_space<vmem>>
        %dma_wait3A_428 = tpu.memref_squeeze %dma_wait3A_427 : memref<1x128x64xf32, #tpu.memory_space<vmem>> -> memref<128x64xf32, #tpu.memory_space<vmem>>
        %dma_wait3A_429 = arith.constant 0 : i32
        %dma_wait3A_430 = tpu.memref_slice %arg7[%mul3A_2, %dma_wait3A_429] : memref<204800x96xf32, #tpu.memory_space<hbm>> -> memref<128x64xf32, #tpu.memory_space<hbm>>
        %dma_wait3A_431 = arith.constant 0 : i32
        %dma_wait3A_432 = tpu.memref_slice %arg7[%mul3A_2, %dma_wait3A_431] : memref<204800x96xf32, #tpu.memory_space<hbm>> -> memref<128x64xf32, #tpu.memory_space<hbm>>
        %dma_wait3A_433 = arith.constant 0 : i32
        %dma_wait3A_434 = arith.constant 0 : i32
        %dma_wait3A_435 = tpu.memref_slice %arg12[%rem3A_367, %dma_wait3A_433, %dma_wait3A_434] : memref<8x128x64xf32, #tpu.memory_space<vmem>> -> memref<1x128x64xf32, #tpu.memory_space<vmem>>
        %dma_wait3A_436 = tpu.memref_squeeze %dma_wait3A_435 : memref<1x128x64xf32, #tpu.memory_space<vmem>> -> memref<128x64xf32, #tpu.memory_space<vmem>>
        tpu.wait_dma2 semaphore(%arg15 : memref<!tpu.dma_semaphore, #tpu.memory_space<semaphore_mem>>) src(%dma_wait3A_436 : memref<128x64xf32, #tpu.memory_space<vmem>>) dst(%dma_wait3A_432 : memref<128x64xf32, #tpu.memory_space<hbm>>)
        %dma_wait3A_437 = arith.constant 0 : i32
        %dma_wait3A_438 = arith.constant 0 : i32
        %dma_wait3A_439 = tpu.memref_slice %arg13[%rem3A_367, %dma_wait3A_437, %dma_wait3A_438] : memref<8x128x32xf32, #tpu.memory_space<vmem>> -> memref<1x128x32xf32, #tpu.memory_space<vmem>>
        %dma_wait3A_440 = tpu.memref_squeeze %dma_wait3A_439 : memref<1x128x32xf32, #tpu.memory_space<vmem>> -> memref<128x32xf32, #tpu.memory_space<vmem>>
        %dma_wait3A_441 = arith.constant 64 : i32
        %dma_wait3A_442 = tpu.memref_slice %arg7[%mul3A_2, %dma_wait3A_441] : memref<204800x96xf32, #tpu.memory_space<hbm>> -> memref<128x32xf32, #tpu.memory_space<hbm>>
        %dma_wait3A_443 = arith.constant 64 : i32
        %dma_wait3A_444 = tpu.memref_slice %arg7[%mul3A_2, %dma_wait3A_443] : memref<204800x96xf32, #tpu.memory_space<hbm>> -> memref<128x32xf32, #tpu.memory_space<hbm>>
        %dma_wait3A_445 = arith.constant 0 : i32
        %dma_wait3A_446 = arith.constant 0 : i32
        %dma_wait3A_447 = tpu.memref_slice %arg13[%rem3A_367, %dma_wait3A_445, %dma_wait3A_446] : memref<8x128x32xf32, #tpu.memory_space<vmem>> -> memref<1x128x32xf32, #tpu.memory_space<vmem>>
        %dma_wait3A_448 = tpu.memref_squeeze %dma_wait3A_447 : memref<1x128x32xf32, #tpu.memory_space<vmem>> -> memref<128x32xf32, #tpu.memory_space<vmem>>
        tpu.wait_dma2 semaphore(%arg15 : memref<!tpu.dma_semaphore, #tpu.memory_space<semaphore_mem>>) src(%dma_wait3A_448 : memref<128x32xf32, #tpu.memory_space<vmem>>) dst(%dma_wait3A_444 : memref<128x32xf32, #tpu.memory_space<hbm>>)
      } else {
      }
      %lt3A_371 = arith.constant 50 : i32
      %lt3A_372 = arith.cmpi slt, %add3A_366, %lt3A_371 : i32
      %convert_element_type3A_373 = arith.extui %lt3A_372 : i1 to i32
      %cond3A_374 = arith.constant 0 : i32
      %cond3A_375 = arith.cmpi ne, %convert_element_type3A_373, %cond3A_374 : i32
      scf.if %cond3A_375 {
        %dma_start3A_425 = arith.constant 0 : i32
        %dma_start3A_426 = arith.constant 0 : i32
        %dma_start3A_427 = tpu.memref_slice %arg12[%rem3A_367, %dma_start3A_425, %dma_start3A_426] : memref<8x128x64xf32, #tpu.memory_space<vmem>> -> memref<1x128x64xf32, #tpu.memory_space<vmem>>
        %dma_start3A_428 = tpu.memref_squeeze %dma_start3A_427 : memref<1x128x64xf32, #tpu.memory_space<vmem>> -> memref<128x64xf32, #tpu.memory_space<vmem>>
        %dma_start3A_429 = arith.constant 0 : i32
        %dma_start3A_430 = tpu.memref_slice %arg8[%add3A_366, %dma_start3A_429] : memref<50x128xi32, #tpu.memory_space<vmem>> -> memref<1x128xi32, #tpu.memory_space<vmem>>
        %dma_start3A_431 = tpu.memref_squeeze %dma_start3A_430 : memref<1x128xi32, #tpu.memory_space<vmem>> -> memref<128xi32, #tpu.memory_space<vmem>>
        %dma_start3A_432 = arith.constant 0 : i32
        %dma_start3A_433 = arith.constant 0 : i32
        %dma_start3A_434 = tpu.memref_slice %arg2[%dma_start3A_432, %dma_start3A_433] : memref<1000000x64xf32, #tpu.memory_space<hbm>> -> memref<1000000x64xf32, #tpu.memory_space<hbm>>
        tpu.enqueue_indirect_dma source(%dma_start3A_434 : memref<1000000x64xf32, #tpu.memory_space<hbm>>) target(%dma_start3A_428 : memref<128x64xf32, #tpu.memory_space<vmem>>) offsets(%dma_start3A_431 : memref<128xi32, #tpu.memory_space<vmem>>) semaphore(%arg14 : memref<!tpu.dma_semaphore, #tpu.memory_space<semaphore_mem>>)
        %dma_start3A_435 = arith.constant 0 : i32
        %dma_start3A_436 = arith.constant 0 : i32
        %dma_start3A_437 = tpu.memref_slice %arg13[%rem3A_367, %dma_start3A_435, %dma_start3A_436] : memref<8x128x32xf32, #tpu.memory_space<vmem>> -> memref<1x128x32xf32, #tpu.memory_space<vmem>>
        %dma_start3A_438 = tpu.memref_squeeze %dma_start3A_437 : memref<1x128x32xf32, #tpu.memory_space<vmem>> -> memref<128x32xf32, #tpu.memory_space<vmem>>
        %dma_start3A_439 = arith.constant 0 : i32
        %dma_start3A_440 = tpu.memref_slice %arg11[%add3A_366, %dma_start3A_439] : memref<50x128xi32, #tpu.memory_space<vmem>> -> memref<1x128xi32, #tpu.memory_space<vmem>>
        %dma_start3A_441 = tpu.memref_squeeze %dma_start3A_440 : memref<1x128xi32, #tpu.memory_space<vmem>> -> memref<128xi32, #tpu.memory_space<vmem>>
        %dma_start3A_442 = arith.constant 0 : i32
        %dma_start3A_443 = arith.constant 0 : i32
        %dma_start3A_444 = tpu.memref_slice %arg3[%dma_start3A_442, %dma_start3A_443] : memref<1000x32xf32, #tpu.memory_space<hbm>> -> memref<1000x32xf32, #tpu.memory_space<hbm>>
        tpu.enqueue_indirect_dma source(%dma_start3A_444 : memref<1000x32xf32, #tpu.memory_space<hbm>>) target(%dma_start3A_438 : memref<128x32xf32, #tpu.memory_space<vmem>>) offsets(%dma_start3A_441 : memref<128xi32, #tpu.memory_space<vmem>>) semaphore(%arg14 : memref<!tpu.dma_semaphore, #tpu.memory_space<semaphore_mem>>)
      } else {
      }
      %rem3A_376 = arith.constant 8 : i32
      %rem3A_377 = arith.remsi %scan3A_364, %rem3A_376 : i32
      %mul3A_378 = arith.constant 128 : i32
      %mul3A_379 = arith.muli %scan3A_364, %mul3A_378 : i32
      %add3A_380 = arith.addi %mul3A_2, %mul3A_379 : i32
      %dma_wait3A_381 = arith.constant 0 : i32
      %dma_wait3A_382 = arith.constant 0 : i32
      %dma_wait3A_383 = tpu.memref_slice %arg12[%rem3A_377, %dma_wait3A_381, %dma_wait3A_382] : memref<8x128x64xf32, #tpu.memory_space<vmem>> -> memref<1x128x64xf32, #tpu.memory_space<vmem>>
      %dma_wait3A_384 = tpu.memref_squeeze %dma_wait3A_383 : memref<1x128x64xf32, #tpu.memory_space<vmem>> -> memref<128x64xf32, #tpu.memory_space<vmem>>
      %dma_wait3A_385 = arith.constant 0 : i32
      %dma_wait3A_386 = tpu.memref_slice %arg8[%scan3A_364, %dma_wait3A_385] : memref<50x128xi32, #tpu.memory_space<vmem>> -> memref<1x128xi32, #tpu.memory_space<vmem>>
      %dma_wait3A_387 = tpu.memref_squeeze %dma_wait3A_386 : memref<1x128xi32, #tpu.memory_space<vmem>> -> memref<128xi32, #tpu.memory_space<vmem>>
      %dma_wait3A_388 = arith.constant 0 : i32
      %dma_wait3A_389 = arith.constant 0 : i32
      %dma_wait3A_390 = tpu.memref_slice %arg2[%dma_wait3A_388, %dma_wait3A_389] : memref<1000000x64xf32, #tpu.memory_space<hbm>> -> memref<1000000x64xf32, #tpu.memory_space<hbm>>
      tpu.wait_indirect_dma semaphore(%arg14 : memref<!tpu.dma_semaphore, #tpu.memory_space<semaphore_mem>>) src(%dma_wait3A_390 : memref<1000000x64xf32, #tpu.memory_space<hbm>>) dst(%dma_wait3A_384 : memref<128x64xf32, #tpu.memory_space<vmem>>)
      %dma_wait3A_391 = arith.constant 0 : i32
      %dma_wait3A_392 = arith.constant 0 : i32
      %dma_wait3A_393 = tpu.memref_slice %arg13[%rem3A_377, %dma_wait3A_391, %dma_wait3A_392] : memref<8x128x32xf32, #tpu.memory_space<vmem>> -> memref<1x128x32xf32, #tpu.memory_space<vmem>>
      %dma_wait3A_394 = tpu.memref_squeeze %dma_wait3A_393 : memref<1x128x32xf32, #tpu.memory_space<vmem>> -> memref<128x32xf32, #tpu.memory_space<vmem>>
      %dma_wait3A_395 = arith.constant 0 : i32
      %dma_wait3A_396 = tpu.memref_slice %arg11[%scan3A_364, %dma_wait3A_395] : memref<50x128xi32, #tpu.memory_space<vmem>> -> memref<1x128xi32, #tpu.memory_space<vmem>>
      %dma_wait3A_397 = tpu.memref_squeeze %dma_wait3A_396 : memref<1x128xi32, #tpu.memory_space<vmem>> -> memref<128xi32, #tpu.memory_space<vmem>>
      %dma_wait3A_398 = arith.constant 0 : i32
      %dma_wait3A_399 = arith.constant 0 : i32
      %dma_wait3A_400 = tpu.memref_slice %arg3[%dma_wait3A_398, %dma_wait3A_399] : memref<1000x32xf32, #tpu.memory_space<hbm>> -> memref<1000x32xf32, #tpu.memory_space<hbm>>
      tpu.wait_indirect_dma semaphore(%arg14 : memref<!tpu.dma_semaphore, #tpu.memory_space<semaphore_mem>>) src(%dma_wait3A_400 : memref<1000x32xf32, #tpu.memory_space<hbm>>) dst(%dma_wait3A_394 : memref<128x32xf32, #tpu.memory_space<vmem>>)
      %dma_start3A_401 = arith.constant 0 : i32
      %dma_start3A_402 = arith.constant 0 : i32
      %dma_start3A_403 = tpu.memref_slice %arg12[%rem3A_377, %dma_start3A_401, %dma_start3A_402] : memref<8x128x64xf32, #tpu.memory_space<vmem>> -> memref<1x128x64xf32, #tpu.memory_space<vmem>>
      %dma_start3A_404 = tpu.memref_squeeze %dma_start3A_403 : memref<1x128x64xf32, #tpu.memory_space<vmem>> -> memref<128x64xf32, #tpu.memory_space<vmem>>
      %dma_start3A_405 = arith.constant 0 : i32
      %dma_start3A_406 = tpu.memref_slice %arg7[%add3A_380, %dma_start3A_405] : memref<204800x96xf32, #tpu.memory_space<hbm>> -> memref<128x64xf32, #tpu.memory_space<hbm>>
      %dma_start3A_407 = arith.constant 0 : i32
      %dma_start3A_408 = tpu.memref_slice %arg7[%add3A_380, %dma_start3A_407] : memref<204800x96xf32, #tpu.memory_space<hbm>> -> memref<128x64xf32, #tpu.memory_space<hbm>>
      %dma_start3A_409 = arith.constant 0 : i32
      %dma_start3A_410 = arith.constant 0 : i32
      %dma_start3A_411 = tpu.memref_slice %arg12[%rem3A_377, %dma_start3A_409, %dma_start3A_410] : memref<8x128x64xf32, #tpu.memory_space<vmem>> -> memref<1x128x64xf32, #tpu.memory_space<vmem>>
      %dma_start3A_412 = tpu.memref_squeeze %dma_start3A_411 : memref<1x128x64xf32, #tpu.memory_space<vmem>> -> memref<128x64xf32, #tpu.memory_space<vmem>>
      tpu.enqueue_dma source(%dma_start3A_412 : memref<128x64xf32, #tpu.memory_space<vmem>>) target(%dma_start3A_408 : memref<128x64xf32, #tpu.memory_space<hbm>>) target_semaphore(%arg15 : memref<!tpu.dma_semaphore, #tpu.memory_space<semaphore_mem>>)
      %dma_start3A_413 = arith.constant 0 : i32
      %dma_start3A_414 = arith.constant 0 : i32
      %dma_start3A_415 = tpu.memref_slice %arg13[%rem3A_377, %dma_start3A_413, %dma_start3A_414] : memref<8x128x32xf32, #tpu.memory_space<vmem>> -> memref<1x128x32xf32, #tpu.memory_space<vmem>>
      %dma_start3A_416 = tpu.memref_squeeze %dma_start3A_415 : memref<1x128x32xf32, #tpu.memory_space<vmem>> -> memref<128x32xf32, #tpu.memory_space<vmem>>
      %dma_start3A_417 = arith.constant 64 : i32
      %dma_start3A_418 = tpu.memref_slice %arg7[%add3A_380, %dma_start3A_417] : memref<204800x96xf32, #tpu.memory_space<hbm>> -> memref<128x32xf32, #tpu.memory_space<hbm>>
      %dma_start3A_419 = arith.constant 64 : i32
      %dma_start3A_420 = tpu.memref_slice %arg7[%add3A_380, %dma_start3A_419] : memref<204800x96xf32, #tpu.memory_space<hbm>> -> memref<128x32xf32, #tpu.memory_space<hbm>>
      %dma_start3A_421 = arith.constant 0 : i32
      %dma_start3A_422 = arith.constant 0 : i32
      %dma_start3A_423 = tpu.memref_slice %arg13[%rem3A_377, %dma_start3A_421, %dma_start3A_422] : memref<8x128x32xf32, #tpu.memory_space<vmem>> -> memref<1x128x32xf32, #tpu.memory_space<vmem>>
      %dma_start3A_424 = tpu.memref_squeeze %dma_start3A_423 : memref<1x128x32xf32, #tpu.memory_space<vmem>> -> memref<128x32xf32, #tpu.memory_space<vmem>>
      tpu.enqueue_dma source(%dma_start3A_424 : memref<128x32xf32, #tpu.memory_space<vmem>>) target(%dma_start3A_420 : memref<128x32xf32, #tpu.memory_space<hbm>>) target_semaphore(%arg15 : memref<!tpu.dma_semaphore, #tpu.memory_space<semaphore_mem>>)
    }
    %scan3A_156 = arith.constant 50 : i32
    %dma_wait3A = arith.constant 0 : i32
    %dma_wait3A_157 = arith.constant 0 : i32
    %dma_wait3A_158 = arith.constant 0 : i32
    %dma_wait3A_159 = tpu.memref_slice %arg12[%dma_wait3A, %dma_wait3A_157, %dma_wait3A_158] : memref<8x128x64xf32, #tpu.memory_space<vmem>> -> memref<1x128x64xf32, #tpu.memory_space<vmem>>
    %dma_wait3A_160 = tpu.memref_squeeze %dma_wait3A_159 : memref<1x128x64xf32, #tpu.memory_space<vmem>> -> memref<128x64xf32, #tpu.memory_space<vmem>>
    %dma_wait3A_161 = arith.constant 0 : i32
    %dma_wait3A_162 = tpu.memref_slice %arg7[%mul3A_2, %dma_wait3A_161] : memref<204800x96xf32, #tpu.memory_space<hbm>> -> memref<128x64xf32, #tpu.memory_space<hbm>>
    %dma_wait3A_163 = arith.constant 0 : i32
    %dma_wait3A_164 = tpu.memref_slice %arg7[%mul3A_2, %dma_wait3A_163] : memref<204800x96xf32, #tpu.memory_space<hbm>> -> memref<128x64xf32, #tpu.memory_space<hbm>>
    %dma_wait3A_165 = arith.constant 0 : i32
    %dma_wait3A_166 = arith.constant 0 : i32
    %dma_wait3A_167 = tpu.memref_slice %arg12[%dma_wait3A, %dma_wait3A_165, %dma_wait3A_166] : memref<8x128x64xf32, #tpu.memory_space<vmem>> -> memref<1x128x64xf32, #tpu.memory_space<vmem>>
    %dma_wait3A_168 = tpu.memref_squeeze %dma_wait3A_167 : memref<1x128x64xf32, #tpu.memory_space<vmem>> -> memref<128x64xf32, #tpu.memory_space<vmem>>
    tpu.wait_dma2 semaphore(%arg15 : memref<!tpu.dma_semaphore, #tpu.memory_space<semaphore_mem>>) src(%dma_wait3A_168 : memref<128x64xf32, #tpu.memory_space<vmem>>) dst(%dma_wait3A_164 : memref<128x64xf32, #tpu.memory_space<hbm>>)
    %dma_wait3A_169 = arith.constant 0 : i32
    %dma_wait3A_170 = arith.constant 0 : i32
    %dma_wait3A_171 = arith.constant 0 : i32
    %dma_wait3A_172 = tpu.memref_slice %arg13[%dma_wait3A_169, %dma_wait3A_170, %dma_wait3A_171] : memref<8x128x32xf32, #tpu.memory_space<vmem>> -> memref<1x128x32xf32, #tpu.memory_space<vmem>>
    %dma_wait3A_173 = tpu.memref_squeeze %dma_wait3A_172 : memref<1x128x32xf32, #tpu.memory_space<vmem>> -> memref<128x32xf32, #tpu.memory_space<vmem>>
    %dma_wait3A_174 = arith.constant 64 : i32
    %dma_wait3A_175 = tpu.memref_slice %arg7[%mul3A_2, %dma_wait3A_174] : memref<204800x96xf32, #tpu.memory_space<hbm>> -> memref<128x32xf32, #tpu.memory_space<hbm>>
    %dma_wait3A_176 = arith.constant 64 : i32
    %dma_wait3A_177 = tpu.memref_slice %arg7[%mul3A_2, %dma_wait3A_176] : memref<204800x96xf32, #tpu.memory_space<hbm>> -> memref<128x32xf32, #tpu.memory_space<hbm>>
    %dma_wait3A_178 = arith.constant 0 : i32
    %dma_wait3A_179 = arith.constant 0 : i32
    %dma_wait3A_180 = tpu.memref_slice %arg13[%dma_wait3A_169, %dma_wait3A_178, %dma_wait3A_179] : memref<8x128x32xf32, #tpu.memory_space<vmem>> -> memref<1x128x32xf32, #tpu.memory_space<vmem>>
    %dma_wait3A_181 = tpu.memref_squeeze %dma_wait3A_180 : memref<1x128x32xf32, #tpu.memory_space<vmem>> -> memref<128x32xf32, #tpu.memory_space<vmem>>
    tpu.wait_dma2 semaphore(%arg15 : memref<!tpu.dma_semaphore, #tpu.memory_space<semaphore_mem>>) src(%dma_wait3A_181 : memref<128x32xf32, #tpu.memory_space<vmem>>) dst(%dma_wait3A_177 : memref<128x32xf32, #tpu.memory_space<hbm>>)
    %dma_wait3A_182 = arith.constant 0 : i32
    %dma_wait3A_183 = arith.constant 0 : i32
    %dma_wait3A_184 = arith.constant 0 : i32
    %dma_wait3A_185 = tpu.memref_slice %arg12[%dma_wait3A_182, %dma_wait3A_183, %dma_wait3A_184] : memref<8x128x64xf32, #tpu.memory_space<vmem>> -> memref<1x128x64xf32, #tpu.memory_space<vmem>>
    %dma_wait3A_186 = tpu.memref_squeeze %dma_wait3A_185 : memref<1x128x64xf32, #tpu.memory_space<vmem>> -> memref<128x64xf32, #tpu.memory_space<vmem>>
    %dma_wait3A_187 = arith.constant 0 : i32
    %dma_wait3A_188 = tpu.memref_slice %arg7[%mul3A_2, %dma_wait3A_187] : memref<204800x96xf32, #tpu.memory_space<hbm>> -> memref<128x64xf32, #tpu.memory_space<hbm>>
    %dma_wait3A_189 = arith.constant 0 : i32
    %dma_wait3A_190 = tpu.memref_slice %arg7[%mul3A_2, %dma_wait3A_189] : memref<204800x96xf32, #tpu.memory_space<hbm>> -> memref<128x64xf32, #tpu.memory_space<hbm>>
    %dma_wait3A_191 = arith.constant 0 : i32
    %dma_wait3A_192 = arith.constant 0 : i32
    %dma_wait3A_193 = tpu.memref_slice %arg12[%dma_wait3A_182, %dma_wait3A_191, %dma_wait3A_192] : memref<8x128x64xf32, #tpu.memory_space<vmem>> -> memref<1x128x64xf32, #tpu.memory_space<vmem>>
    %dma_wait3A_194 = tpu.memref_squeeze %dma_wait3A_193 : memref<1x128x64xf32, #tpu.memory_space<vmem>> -> memref<128x64xf32, #tpu.memory_space<vmem>>
    tpu.wait_dma2 semaphore(%arg15 : memref<!tpu.dma_semaphore, #tpu.memory_space<semaphore_mem>>) src(%dma_wait3A_194 : memref<128x64xf32, #tpu.memory_space<vmem>>) dst(%dma_wait3A_190 : memref<128x64xf32, #tpu.memory_space<hbm>>)
    %dma_wait3A_195 = arith.constant 0 : i32
    %dma_wait3A_196 = arith.constant 0 : i32
    %dma_wait3A_197 = arith.constant 0 : i32
    %dma_wait3A_198 = tpu.memref_slice %arg13[%dma_wait3A_195, %dma_wait3A_196, %dma_wait3A_197] : memref<8x128x32xf32, #tpu.memory_space<vmem>> -> memref<1x128x32xf32, #tpu.memory_space<vmem>>
    %dma_wait3A_199 = tpu.memref_squeeze %dma_wait3A_198 : memref<1x128x32xf32, #tpu.memory_space<vmem>> -> memref<128x32xf32, #tpu.memory_space<vmem>>
    %dma_wait3A_200 = arith.constant 64 : i32
    %dma_wait3A_201 = tpu.memref_slice %arg7[%mul3A_2, %dma_wait3A_200] : memref<204800x96xf32, #tpu.memory_space<hbm>> -> memref<128x32xf32, #tpu.memory_space<hbm>>
    %dma_wait3A_202 = arith.constant 64 : i32
    %dma_wait3A_203 = tpu.memref_slice %arg7[%mul3A_2, %dma_wait3A_202] : memref<204800x96xf32, #tpu.memory_space<hbm>> -> memref<128x32xf32, #tpu.memory_space<hbm>>
    %dma_wait3A_204 = arith.constant 0 : i32
    %dma_wait3A_205 = arith.constant 0 : i32
    %dma_wait3A_206 = tpu.memref_slice %arg13[%dma_wait3A_195, %dma_wait3A_204, %dma_wait3A_205] : memref<8x128x32xf32, #tpu.memory_space<vmem>> -> memref<1x128x32xf32, #tpu.memory_space<vmem>>
    %dma_wait3A_207 = tpu.memref_squeeze %dma_wait3A_206 : memref<1x128x32xf32, #tpu.memory_space<vmem>> -> memref<128x32xf32, #tpu.memory_space<vmem>>
    tpu.wait_dma2 semaphore(%arg15 : memref<!tpu.dma_semaphore, #tpu.memory_space<semaphore_mem>>) src(%dma_wait3A_207 : memref<128x32xf32, #tpu.memory_space<vmem>>) dst(%dma_wait3A_203 : memref<128x32xf32, #tpu.memory_space<hbm>>)
    %dma_wait3A_208 = arith.constant 0 : i32
    %dma_wait3A_209 = arith.constant 0 : i32
    %dma_wait3A_210 = arith.constant 0 : i32
    %dma_wait3A_211 = tpu.memref_slice %arg12[%dma_wait3A_208, %dma_wait3A_209, %dma_wait3A_210] : memref<8x128x64xf32, #tpu.memory_space<vmem>> -> memref<1x128x64xf32, #tpu.memory_space<vmem>>
    %dma_wait3A_212 = tpu.memref_squeeze %dma_wait3A_211 : memref<1x128x64xf32, #tpu.memory_space<vmem>> -> memref<128x64xf32, #tpu.memory_space<vmem>>
    %dma_wait3A_213 = arith.constant 0 : i32
    %dma_wait3A_214 = tpu.memref_slice %arg7[%mul3A_2, %dma_wait3A_213] : memref<204800x96xf32, #tpu.memory_space<hbm>> -> memref<128x64xf32, #tpu.memory_space<hbm>>
    %dma_wait3A_215 = arith.constant 0 : i32
    %dma_wait3A_216 = tpu.memref_slice %arg7[%mul3A_2, %dma_wait3A_215] : memref<204800x96xf32, #tpu.memory_space<hbm>> -> memref<128x64xf32, #tpu.memory_space<hbm>>
    %dma_wait3A_217 = arith.constant 0 : i32
    %dma_wait3A_218 = arith.constant 0 : i32
    %dma_wait3A_219 = tpu.memref_slice %arg12[%dma_wait3A_208, %dma_wait3A_217, %dma_wait3A_218] : memref<8x128x64xf32, #tpu.memory_space<vmem>> -> memref<1x128x64xf32, #tpu.memory_space<vmem>>
    %dma_wait3A_220 = tpu.memref_squeeze %dma_wait3A_219 : memref<1x128x64xf32, #tpu.memory_space<vmem>> -> memref<128x64xf32, #tpu.memory_space<vmem>>
    tpu.wait_dma2 semaphore(%arg15 : memref<!tpu.dma_semaphore, #tpu.memory_space<semaphore_mem>>) src(%dma_wait3A_220 : memref<128x64xf32, #tpu.memory_space<vmem>>) dst(%dma_wait3A_216 : memref<128x64xf32, #tpu.memory_space<hbm>>)
    %dma_wait3A_221 = arith.constant 0 : i32
    %dma_wait3A_222 = arith.constant 0 : i32
    %dma_wait3A_223 = arith.constant 0 : i32
    %dma_wait3A_224 = tpu.memref_slice %arg13[%dma_wait3A_221, %dma_wait3A_222, %dma_wait3A_223] : memref<8x128x32xf32, #tpu.memory_space<vmem>> -> memref<1x128x32xf32, #tpu.memory_space<vmem>>
    %dma_wait3A_225 = tpu.memref_squeeze %dma_wait3A_224 : memref<1x128x32xf32, #tpu.memory_space<vmem>> -> memref<128x32xf32, #tpu.memory_space<vmem>>
    %dma_wait3A_226 = arith.constant 64 : i32
    %dma_wait3A_227 = tpu.memref_slice %arg7[%mul3A_2, %dma_wait3A_226] : memref<204800x96xf32, #tpu.memory_space<hbm>> -> memref<128x32xf32, #tpu.memory_space<hbm>>
    %dma_wait3A_228 = arith.constant 64 : i32
    %dma_wait3A_229 = tpu.memref_slice %arg7[%mul3A_2, %dma_wait3A_228] : memref<204800x96xf32, #tpu.memory_space<hbm>> -> memref<128x32xf32, #tpu.memory_space<hbm>>
    %dma_wait3A_230 = arith.constant 0 : i32
    %dma_wait3A_231 = arith.constant 0 : i32
    %dma_wait3A_232 = tpu.memref_slice %arg13[%dma_wait3A_221, %dma_wait3A_230, %dma_wait3A_231] : memref<8x128x32xf32, #tpu.memory_space<vmem>> -> memref<1x128x32xf32, #tpu.memory_space<vmem>>
    %dma_wait3A_233 = tpu.memref_squeeze %dma_wait3A_232 : memref<1x128x32xf32, #tpu.memory_space<vmem>> -> memref<128x32xf32, #tpu.memory_space<vmem>>
    tpu.wait_dma2 semaphore(%arg15 : memref<!tpu.dma_semaphore, #tpu.memory_space<semaphore_mem>>) src(%dma_wait3A_233 : memref<128x32xf32, #tpu.memory_space<vmem>>) dst(%dma_wait3A_229 : memref<128x32xf32, #tpu.memory_space<hbm>>)
    %dma_wait3A_234 = arith.constant 0 : i32
    %dma_wait3A_235 = arith.constant 0 : i32
    %dma_wait3A_236 = arith.constant 0 : i32
    %dma_wait3A_237 = tpu.memref_slice %arg12[%dma_wait3A_234, %dma_wait3A_235, %dma_wait3A_236] : memref<8x128x64xf32, #tpu.memory_space<vmem>> -> memref<1x128x64xf32, #tpu.memory_space<vmem>>
    %dma_wait3A_238 = tpu.memref_squeeze %dma_wait3A_237 : memref<1x128x64xf32, #tpu.memory_space<vmem>> -> memref<128x64xf32, #tpu.memory_space<vmem>>
    %dma_wait3A_239 = arith.constant 0 : i32
    %dma_wait3A_240 = tpu.memref_slice %arg7[%mul3A_2, %dma_wait3A_239] : memref<204800x96xf32, #tpu.memory_space<hbm>> -> memref<128x64xf32, #tpu.memory_space<hbm>>
    %dma_wait3A_241 = arith.constant 0 : i32
    %dma_wait3A_242 = tpu.memref_slice %arg7[%mul3A_2, %dma_wait3A_241] : memref<204800x96xf32, #tpu.memory_space<hbm>> -> memref<128x64xf32, #tpu.memory_space<hbm>>
    %dma_wait3A_243 = arith.constant 0 : i32
    %dma_wait3A_244 = arith.constant 0 : i32
    %dma_wait3A_245 = tpu.memref_slice %arg12[%dma_wait3A_234, %dma_wait3A_243, %dma_wait3A_244] : memref<8x128x64xf32, #tpu.memory_space<vmem>> -> memref<1x128x64xf32, #tpu.memory_space<vmem>>
    %dma_wait3A_246 = tpu.memref_squeeze %dma_wait3A_245 : memref<1x128x64xf32, #tpu.memory_space<vmem>> -> memref<128x64xf32, #tpu.memory_space<vmem>>
    tpu.wait_dma2 semaphore(%arg15 : memref<!tpu.dma_semaphore, #tpu.memory_space<semaphore_mem>>) src(%dma_wait3A_246 : memref<128x64xf32, #tpu.memory_space<vmem>>) dst(%dma_wait3A_242 : memref<128x64xf32, #tpu.memory_space<hbm>>)
    %dma_wait3A_247 = arith.constant 0 : i32
    %dma_wait3A_248 = arith.constant 0 : i32
    %dma_wait3A_249 = arith.constant 0 : i32
    %dma_wait3A_250 = tpu.memref_slice %arg13[%dma_wait3A_247, %dma_wait3A_248, %dma_wait3A_249] : memref<8x128x32xf32, #tpu.memory_space<vmem>> -> memref<1x128x32xf32, #tpu.memory_space<vmem>>
    %dma_wait3A_251 = tpu.memref_squeeze %dma_wait3A_250 : memref<1x128x32xf32, #tpu.memory_space<vmem>> -> memref<128x32xf32, #tpu.memory_space<vmem>>
    %dma_wait3A_252 = arith.constant 64 : i32
    %dma_wait3A_253 = tpu.memref_slice %arg7[%mul3A_2, %dma_wait3A_252] : memref<204800x96xf32, #tpu.memory_space<hbm>> -> memref<128x32xf32, #tpu.memory_space<hbm>>
    %dma_wait3A_254 = arith.constant 64 : i32
    %dma_wait3A_255 = tpu.memref_slice %arg7[%mul3A_2, %dma_wait3A_254] : memref<204800x96xf32, #tpu.memory_space<hbm>> -> memref<128x32xf32, #tpu.memory_space<hbm>>
    %dma_wait3A_256 = arith.constant 0 : i32
    %dma_wait3A_257 = arith.constant 0 : i32
    %dma_wait3A_258 = tpu.memref_slice %arg13[%dma_wait3A_247, %dma_wait3A_256, %dma_wait3A_257] : memref<8x128x32xf32, #tpu.memory_space<vmem>> -> memref<1x128x32xf32, #tpu.memory_space<vmem>>
    %dma_wait3A_259 = tpu.memref_squeeze %dma_wait3A_258 : memref<1x128x32xf32, #tpu.memory_space<vmem>> -> memref<128x32xf32, #tpu.memory_space<vmem>>
    tpu.wait_dma2 semaphore(%arg15 : memref<!tpu.dma_semaphore, #tpu.memory_space<semaphore_mem>>) src(%dma_wait3A_259 : memref<128x32xf32, #tpu.memory_space<vmem>>) dst(%dma_wait3A_255 : memref<128x32xf32, #tpu.memory_space<hbm>>)
    %dma_wait3A_260 = arith.constant 0 : i32
    %dma_wait3A_261 = arith.constant 0 : i32
    %dma_wait3A_262 = arith.constant 0 : i32
    %dma_wait3A_263 = tpu.memref_slice %arg12[%dma_wait3A_260, %dma_wait3A_261, %dma_wait3A_262] : memref<8x128x64xf32, #tpu.memory_space<vmem>> -> memref<1x128x64xf32, #tpu.memory_space<vmem>>
    %dma_wait3A_264 = tpu.memref_squeeze %dma_wait3A_263 : memref<1x128x64xf32, #tpu.memory_space<vmem>> -> memref<128x64xf32, #tpu.memory_space<vmem>>
    %dma_wait3A_265 = arith.constant 0 : i32
    %dma_wait3A_266 = tpu.memref_slice %arg7[%mul3A_2, %dma_wait3A_265] : memref<204800x96xf32, #tpu.memory_space<hbm>> -> memref<128x64xf32, #tpu.memory_space<hbm>>
    %dma_wait3A_267 = arith.constant 0 : i32
    %dma_wait3A_268 = tpu.memref_slice %arg7[%mul3A_2, %dma_wait3A_267] : memref<204800x96xf32, #tpu.memory_space<hbm>> -> memref<128x64xf32, #tpu.memory_space<hbm>>
    %dma_wait3A_269 = arith.constant 0 : i32
    %dma_wait3A_270 = arith.constant 0 : i32
    %dma_wait3A_271 = tpu.memref_slice %arg12[%dma_wait3A_260, %dma_wait3A_269, %dma_wait3A_270] : memref<8x128x64xf32, #tpu.memory_space<vmem>> -> memref<1x128x64xf32, #tpu.memory_space<vmem>>
    %dma_wait3A_272 = tpu.memref_squeeze %dma_wait3A_271 : memref<1x128x64xf32, #tpu.memory_space<vmem>> -> memref<128x64xf32, #tpu.memory_space<vmem>>
    tpu.wait_dma2 semaphore(%arg15 : memref<!tpu.dma_semaphore, #tpu.memory_space<semaphore_mem>>) src(%dma_wait3A_272 : memref<128x64xf32, #tpu.memory_space<vmem>>) dst(%dma_wait3A_268 : memref<128x64xf32, #tpu.memory_space<hbm>>)
    %dma_wait3A_273 = arith.constant 0 : i32
    %dma_wait3A_274 = arith.constant 0 : i32
    %dma_wait3A_275 = arith.constant 0 : i32
    %dma_wait3A_276 = tpu.memref_slice %arg13[%dma_wait3A_273, %dma_wait3A_274, %dma_wait3A_275] : memref<8x128x32xf32, #tpu.memory_space<vmem>> -> memref<1x128x32xf32, #tpu.memory_space<vmem>>
    %dma_wait3A_277 = tpu.memref_squeeze %dma_wait3A_276 : memref<1x128x32xf32, #tpu.memory_space<vmem>> -> memref<128x32xf32, #tpu.memory_space<vmem>>
    %dma_wait3A_278 = arith.constant 64 : i32
    %dma_wait3A_279 = tpu.memref_slice %arg7[%mul3A_2, %dma_wait3A_278] : memref<204800x96xf32, #tpu.memory_space<hbm>> -> memref<128x32xf32, #tpu.memory_space<hbm>>
    %dma_wait3A_280 = arith.constant 64 : i32
    %dma_wait3A_281 = tpu.memref_slice %arg7[%mul3A_2, %dma_wait3A_280] : memref<204800x96xf32, #tpu.memory_space<hbm>> -> memref<128x32xf32, #tpu.memory_space<hbm>>
    %dma_wait3A_282 = arith.constant 0 : i32
    %dma_wait3A_283 = arith.constant 0 : i32
    %dma_wait3A_284 = tpu.memref_slice %arg13[%dma_wait3A_273, %dma_wait3A_282, %dma_wait3A_283] : memref<8x128x32xf32, #tpu.memory_space<vmem>> -> memref<1x128x32xf32, #tpu.memory_space<vmem>>
    %dma_wait3A_285 = tpu.memref_squeeze %dma_wait3A_284 : memref<1x128x32xf32, #tpu.memory_space<vmem>> -> memref<128x32xf32, #tpu.memory_space<vmem>>
    tpu.wait_dma2 semaphore(%arg15 : memref<!tpu.dma_semaphore, #tpu.memory_space<semaphore_mem>>) src(%dma_wait3A_285 : memref<128x32xf32, #tpu.memory_space<vmem>>) dst(%dma_wait3A_281 : memref<128x32xf32, #tpu.memory_space<hbm>>)
    %dma_wait3A_286 = arith.constant 0 : i32
    %dma_wait3A_287 = arith.constant 0 : i32
    %dma_wait3A_288 = arith.constant 0 : i32
    %dma_wait3A_289 = tpu.memref_slice %arg12[%dma_wait3A_286, %dma_wait3A_287, %dma_wait3A_288] : memref<8x128x64xf32, #tpu.memory_space<vmem>> -> memref<1x128x64xf32, #tpu.memory_space<vmem>>
    %dma_wait3A_290 = tpu.memref_squeeze %dma_wait3A_289 : memref<1x128x64xf32, #tpu.memory_space<vmem>> -> memref<128x64xf32, #tpu.memory_space<vmem>>
    %dma_wait3A_291 = arith.constant 0 : i32
    %dma_wait3A_292 = tpu.memref_slice %arg7[%mul3A_2, %dma_wait3A_291] : memref<204800x96xf32, #tpu.memory_space<hbm>> -> memref<128x64xf32, #tpu.memory_space<hbm>>
    %dma_wait3A_293 = arith.constant 0 : i32
    %dma_wait3A_294 = tpu.memref_slice %arg7[%mul3A_2, %dma_wait3A_293] : memref<204800x96xf32, #tpu.memory_space<hbm>> -> memref<128x64xf32, #tpu.memory_space<hbm>>
    %dma_wait3A_295 = arith.constant 0 : i32
    %dma_wait3A_296 = arith.constant 0 : i32
    %dma_wait3A_297 = tpu.memref_slice %arg12[%dma_wait3A_286, %dma_wait3A_295, %dma_wait3A_296] : memref<8x128x64xf32, #tpu.memory_space<vmem>> -> memref<1x128x64xf32, #tpu.memory_space<vmem>>
    %dma_wait3A_298 = tpu.memref_squeeze %dma_wait3A_297 : memref<1x128x64xf32, #tpu.memory_space<vmem>> -> memref<128x64xf32, #tpu.memory_space<vmem>>
    tpu.wait_dma2 semaphore(%arg15 : memref<!tpu.dma_semaphore, #tpu.memory_space<semaphore_mem>>) src(%dma_wait3A_298 : memref<128x64xf32, #tpu.memory_space<vmem>>) dst(%dma_wait3A_294 : memref<128x64xf32, #tpu.memory_space<hbm>>)
    %dma_wait3A_299 = arith.constant 0 : i32
    %dma_wait3A_300 = arith.constant 0 : i32
    %dma_wait3A_301 = arith.constant 0 : i32
    %dma_wait3A_302 = tpu.memref_slice %arg13[%dma_wait3A_299, %dma_wait3A_300, %dma_wait3A_301] : memref<8x128x32xf32, #tpu.memory_space<vmem>> -> memref<1x128x32xf32, #tpu.memory_space<vmem>>
    %dma_wait3A_303 = tpu.memref_squeeze %dma_wait3A_302 : memref<1x128x32xf32, #tpu.memory_space<vmem>> -> memref<128x32xf32, #tpu.memory_space<vmem>>
    %dma_wait3A_304 = arith.constant 64 : i32
    %dma_wait3A_305 = tpu.memref_slice %arg7[%mul3A_2, %dma_wait3A_304] : memref<204800x96xf32, #tpu.memory_space<hbm>> -> memref<128x32xf32, #tpu.memory_space<hbm>>
    %dma_wait3A_306 = arith.constant 64 : i32
    %dma_wait3A_307 = tpu.memref_slice %arg7[%mul3A_2, %dma_wait3A_306] : memref<204800x96xf32, #tpu.memory_space<hbm>> -> memref<128x32xf32, #tpu.memory_space<hbm>>
    %dma_wait3A_308 = arith.constant 0 : i32
    %dma_wait3A_309 = arith.constant 0 : i32
    %dma_wait3A_310 = tpu.memref_slice %arg13[%dma_wait3A_299, %dma_wait3A_308, %dma_wait3A_309] : memref<8x128x32xf32, #tpu.memory_space<vmem>> -> memref<1x128x32xf32, #tpu.memory_space<vmem>>
    %dma_wait3A_311 = tpu.memref_squeeze %dma_wait3A_310 : memref<1x128x32xf32, #tpu.memory_space<vmem>> -> memref<128x32xf32, #tpu.memory_space<vmem>>
    tpu.wait_dma2 semaphore(%arg15 : memref<!tpu.dma_semaphore, #tpu.memory_space<semaphore_mem>>) src(%dma_wait3A_311 : memref<128x32xf32, #tpu.memory_space<vmem>>) dst(%dma_wait3A_307 : memref<128x32xf32, #tpu.memory_space<hbm>>)
    %dma_wait3A_312 = arith.constant 0 : i32
    %dma_wait3A_313 = arith.constant 0 : i32
    %dma_wait3A_314 = arith.constant 0 : i32
    %dma_wait3A_315 = tpu.memref_slice %arg12[%dma_wait3A_312, %dma_wait3A_313, %dma_wait3A_314] : memref<8x128x64xf32, #tpu.memory_space<vmem>> -> memref<1x128x64xf32, #tpu.memory_space<vmem>>
    %dma_wait3A_316 = tpu.memref_squeeze %dma_wait3A_315 : memref<1x128x64xf32, #tpu.memory_space<vmem>> -> memref<128x64xf32, #tpu.memory_space<vmem>>
    %dma_wait3A_317 = arith.constant 0 : i32
    %dma_wait3A_318 = tpu.memref_slice %arg7[%mul3A_2, %dma_wait3A_317] : memref<204800x96xf32, #tpu.memory_space<hbm>> -> memref<128x64xf32, #tpu.memory_space<hbm>>
    %dma_wait3A_319 = arith.constant 0 : i32
    %dma_wait3A_320 = tpu.memref_slice %arg7[%mul3A_2, %dma_wait3A_319] : memref<204800x96xf32, #tpu.memory_space<hbm>> -> memref<128x64xf32, #tpu.memory_space<hbm>>
    %dma_wait3A_321 = arith.constant 0 : i32
    %dma_wait3A_322 = arith.constant 0 : i32
    %dma_wait3A_323 = tpu.memref_slice %arg12[%dma_wait3A_312, %dma_wait3A_321, %dma_wait3A_322] : memref<8x128x64xf32, #tpu.memory_space<vmem>> -> memref<1x128x64xf32, #tpu.memory_space<vmem>>
    %dma_wait3A_324 = tpu.memref_squeeze %dma_wait3A_323 : memref<1x128x64xf32, #tpu.memory_space<vmem>> -> memref<128x64xf32, #tpu.memory_space<vmem>>
    tpu.wait_dma2 semaphore(%arg15 : memref<!tpu.dma_semaphore, #tpu.memory_space<semaphore_mem>>) src(%dma_wait3A_324 : memref<128x64xf32, #tpu.memory_space<vmem>>) dst(%dma_wait3A_320 : memref<128x64xf32, #tpu.memory_space<hbm>>)
    %dma_wait3A_325 = arith.constant 0 : i32
    %dma_wait3A_326 = arith.constant 0 : i32
    %dma_wait3A_327 = arith.constant 0 : i32
    %dma_wait3A_328 = tpu.memref_slice %arg13[%dma_wait3A_325, %dma_wait3A_326, %dma_wait3A_327] : memref<8x128x32xf32, #tpu.memory_space<vmem>> -> memref<1x128x32xf32, #tpu.memory_space<vmem>>
    %dma_wait3A_329 = tpu.memref_squeeze %dma_wait3A_328 : memref<1x128x32xf32, #tpu.memory_space<vmem>> -> memref<128x32xf32, #tpu.memory_space<vmem>>
    %dma_wait3A_330 = arith.constant 64 : i32
    %dma_wait3A_331 = tpu.memref_slice %arg7[%mul3A_2, %dma_wait3A_330] : memref<204800x96xf32, #tpu.memory_space<hbm>> -> memref<128x32xf32, #tpu.memory_space<hbm>>
    %dma_wait3A_332 = arith.constant 64 : i32
    %dma_wait3A_333 = tpu.memref_slice %arg7[%mul3A_2, %dma_wait3A_332] : memref<204800x96xf32, #tpu.memory_space<hbm>> -> memref<128x32xf32, #tpu.memory_space<hbm>>
    %dma_wait3A_334 = arith.constant 0 : i32
    %dma_wait3A_335 = arith.constant 0 : i32
    %dma_wait3A_336 = tpu.memref_slice %arg13[%dma_wait3A_325, %dma_wait3A_334, %dma_wait3A_335] : memref<8x128x32xf32, #tpu.memory_space<vmem>> -> memref<1x128x32xf32, #tpu.memory_space<vmem>>
    %dma_wait3A_337 = tpu.memref_squeeze %dma_wait3A_336 : memref<1x128x32xf32, #tpu.memory_space<vmem>> -> memref<128x32xf32, #tpu.memory_space<vmem>>
    tpu.wait_dma2 semaphore(%arg15 : memref<!tpu.dma_semaphore, #tpu.memory_space<semaphore_mem>>) src(%dma_wait3A_337 : memref<128x32xf32, #tpu.memory_space<vmem>>) dst(%dma_wait3A_333 : memref<128x32xf32, #tpu.memory_space<hbm>>)
    %dma_wait3A_338 = arith.constant 0 : i32
    %dma_wait3A_339 = arith.constant 0 : i32
    %dma_wait3A_340 = arith.constant 0 : i32
    %dma_wait3A_341 = tpu.memref_slice %arg12[%dma_wait3A_338, %dma_wait3A_339, %dma_wait3A_340] : memref<8x128x64xf32, #tpu.memory_space<vmem>> -> memref<1x128x64xf32, #tpu.memory_space<vmem>>
    %dma_wait3A_342 = tpu.memref_squeeze %dma_wait3A_341 : memref<1x128x64xf32, #tpu.memory_space<vmem>> -> memref<128x64xf32, #tpu.memory_space<vmem>>
    %dma_wait3A_343 = arith.constant 0 : i32
    %dma_wait3A_344 = tpu.memref_slice %arg7[%mul3A_2, %dma_wait3A_343] : memref<204800x96xf32, #tpu.memory_space<hbm>> -> memref<128x64xf32, #tpu.memory_space<hbm>>
    %dma_wait3A_345 = arith.constant 0 : i32
    %dma_wait3A_346 = tpu.memref_slice %arg7[%mul3A_2, %dma_wait3A_345] : memref<204800x96xf32, #tpu.memory_space<hbm>> -> memref<128x64xf32, #tpu.memory_space<hbm>>
    %dma_wait3A_347 = arith.constant 0 : i32
    %dma_wait3A_348 = arith.constant 0 : i32
    %dma_wait3A_349 = tpu.memref_slice %arg12[%dma_wait3A_338, %dma_wait3A_347, %dma_wait3A_348] : memref<8x128x64xf32, #tpu.memory_space<vmem>> -> memref<1x128x64xf32, #tpu.memory_space<vmem>>
    %dma_wait3A_350 = tpu.memref_squeeze %dma_wait3A_349 : memref<1x128x64xf32, #tpu.memory_space<vmem>> -> memref<128x64xf32, #tpu.memory_space<vmem>>
    tpu.wait_dma2 semaphore(%arg15 : memref<!tpu.dma_semaphore, #tpu.memory_space<semaphore_mem>>) src(%dma_wait3A_350 : memref<128x64xf32, #tpu.memory_space<vmem>>) dst(%dma_wait3A_346 : memref<128x64xf32, #tpu.memory_space<hbm>>)
    %dma_wait3A_351 = arith.constant 0 : i32
    %dma_wait3A_352 = arith.constant 0 : i32
    %dma_wait3A_353 = arith.constant 0 : i32
    %dma_wait3A_354 = tpu.memref_slice %arg13[%dma_wait3A_351, %dma_wait3A_352, %dma_wait3A_353] : memref<8x128x32xf32, #tpu.memory_space<vmem>> -> memref<1x128x32xf32, #tpu.memory_space<vmem>>
    %dma_wait3A_355 = tpu.memref_squeeze %dma_wait3A_354 : memref<1x128x32xf32, #tpu.memory_space<vmem>> -> memref<128x32xf32, #tpu.memory_space<vmem>>
    %dma_wait3A_356 = arith.constant 64 : i32
    %dma_wait3A_357 = tpu.memref_slice %arg7[%mul3A_2, %dma_wait3A_356] : memref<204800x96xf32, #tpu.memory_space<hbm>> -> memref<128x32xf32, #tpu.memory_space<hbm>>
    %dma_wait3A_358 = arith.constant 64 : i32
    %dma_wait3A_359 = tpu.memref_slice %arg7[%mul3A_2, %dma_wait3A_358] : memref<204800x96xf32, #tpu.memory_space<hbm>> -> memref<128x32xf32, #tpu.memory_space<hbm>>
    %dma_wait3A_360 = arith.constant 0 : i32
    %dma_wait3A_361 = arith.constant 0 : i32
    %dma_wait3A_362 = tpu.memref_slice %arg13[%dma_wait3A_351, %dma_wait3A_360, %dma_wait3A_361] : memref<8x128x32xf32, #tpu.memory_space<vmem>> -> memref<1x128x32xf32, #tpu.memory_space<vmem>>
    %dma_wait3A_363 = tpu.memref_squeeze %dma_wait3A_362 : memref<1x128x32xf32, #tpu.memory_space<vmem>> -> memref<128x32xf32, #tpu.memory_space<vmem>>
    tpu.wait_dma2 semaphore(%arg15 : memref<!tpu.dma_semaphore, #tpu.memory_space<semaphore_mem>>) src(%dma_wait3A_363 : memref<128x32xf32, #tpu.memory_space<vmem>>) dst(%dma_wait3A_359 : memref<128x32xf32, #tpu.memory_space<hbm>>)
    return
  }
}

module attributes {stable_mosaic.version = 14 : i64} {
  func.func @body(%arg0: i32, %arg1: memref<1024x96xf32, #tpu.memory_space<vmem>>, %arg2: memref<1x12x8x8x128xf32, #tpu.memory_space<vmem>>) attributes {dimension_semantics = [#tpu.dimension_semantics<arbitrary>], iteration_bounds = array<i64: 200>, scalar_prefetch = 0 : i64, scratch_operands = 0 : i64, tpu.core_type = #tpu.core_type<tc>, window_params = [{transform_indices = @transform_0, window_bounds = array<i64: 1024, 96>}, {transform_indices = @transform_1, window_bounds = array<i64: 1, 12, 8, 8, 128>}]} {
    %get3A = arith.constant 0 : index
    %get3A_0 = arith.constant 0 : index
    %get3A_1 = vector.load %arg1[%get3A, %get3A_0] : memref<1024x96xf32, #tpu.memory_space<vmem>>, vector<1024x96xf32>
    %reshape3A = vector.shape_cast %get3A_1 : vector<1024x96xf32> to vector<8x128x96xf32>
    %transpose3A = tpu.transpose %reshape3A, [0, 2, 1] : vector<8x128x96xf32> -> vector<8x96x128xf32>
    %reshape3A_2 = vector.shape_cast %transpose3A : vector<8x96x128xf32> to vector<1x8x12x8x128xf32>
    %transpose3A_3 = tpu.transpose %reshape3A_2, [0, 2, 1, 3, 4] : vector<1x8x12x8x128xf32> -> vector<1x12x8x8x128xf32>
    %swap3A = arith.constant 0 : index
    %swap3A_4 = arith.constant 0 : index
    %swap3A_5 = arith.constant 0 : index
    %swap3A_6 = arith.constant 0 : index
    %swap3A_7 = arith.constant 0 : index
    %swap3A_8 = vector.load %arg2[%swap3A, %swap3A_4, %swap3A_5, %swap3A_6, %swap3A_7] : memref<1x12x8x8x128xf32, #tpu.memory_space<vmem>>, vector<1x12x8x8x128xf32>
    tpu.vector_store %arg2[%swap3A, %swap3A_4, %swap3A_5, %swap3A_6, %swap3A_7], %transpose3A_3 {strides = array<i32>} : memref<1x12x8x8x128xf32, #tpu.memory_space<vmem>>, vector<1x12x8x8x128xf32>,
    return
  }
  func.func @transform_0(%arg0: i32) -> (i32, i32) {
    %c0_i32 = arith.constant 0 : i32
    %c0_i32_0 = arith.constant 0 : i32
    return %arg0, %c0_i32 : i32, i32
  }
  func.func @transform_1(%arg0: i32) -> (i32, i32, i32, i32, i32) {
    %c0_i32 = arith.constant 0 : i32
    %c0_i32_0 = arith.constant 0 : i32
    %c0_i32_1 = arith.constant 0 : i32
    %c0_i32_2 = arith.constant 0 : i32
    %c0_i32_3 = arith.constant 0 : i32
    return %arg0, %c0_i32, %c0_i32_0, %c0_i32_1, %c0_i32_2 : i32, i32, i32, i32, i32
  }
}

</mosaic_0001>

<sc_bundles>
// kernel: kernel.4.cloned.1.call-start
scs
__scs_entry_jumppad:
0x0: {  	(pc) =	sbr.rel $0x88, $3  }
0x1: {  	(tag) =	ssettag $0x0;
	lr =	simm.s32 $0x1  }
0x2: {  	[smem:$0x3F9B] =	sst lr;
	_ =	strace $0xD0000000  }
0x3: {  	_ = 	snop  }
0x4: {  	_ = 	snop  }
0x5: {  	_ = 	snop  }
0x6: {  	_ = 	snop  }
0x7: {  	_ = 	snop  }
__scs_overlays_trampoline_lowered:
0x8: {  	[smem:$0x3FAA] =	sst s0  }
0x9: {  	[smem:$0x3FAB] =	sst s1  }
0xa: {  	[smem:$0x3FAC] =	sst s2  }
0xb: {  	[smem:$0x3FAD] =	sst s3  }
0xc: {  	[smem:$0x3FAE] =	sst s4  }
0xd: {  	[smem:$0x3FAF] =	sst s5  }
0xe: {  	[smem:$0x3FB0] =	sst s6  }
0xf: {  	[smem:$0x3FB1] =	sst s7  }
0x10: {  	[smem:$0x3FB2] =	sst s8  }
0x11: {  	[smem:$0x3FB3] =	sst s9;
	s0 =	simm.s32 @!p0 $0x0  }
0x12: {  	s1 =	sld [smem:$0x3F99];
	s0 =	simm.s32 @p0 $0x1  }
0x13: {  	[smem:$0x3FB4] =	sst s0;
	s0 =	simm.s32 @!p1 $0x0  }
0x14: {  	s2 =	sld [smem:$0x3F98];
	s0 =	simm.s32 @p1 $0x1  }
0x15: {  	[smem:$0x3FB5] =	sst s0;
	s0 =	simm.s32 @!p2 $0x0  }
0x16: {  	s3 =	sld [smem:$0x3FDB];
	s0 =	simm.s32 @p2 $0x1  }
0x17: {  	s4 =	simm.s32 $0x1BF5;
	[smem:$0x3FB7] =	sst s0  }
0x18: {  	s0 =	sld [smem:$0x3F9A];
	_ =	swait.ge [sflag:s4], $0x0  }
0x19: {  	s7 =	sld [smem:$0x3F9B]  }
0x1a: {  	s8 =	sadd.s32 $0xFFFFE003, lr  }
0x1b: {  	s9 =	sadd.s32 $0xFFFFFEF7, lr;
	s5 =	simm.s32 $0xFFFFFFFF;
	p2 =	slt.u32 s8, $0xFFFFF086  }
0x1c: {  	p1 =	slt.u32 s9, $0xF7A;
	s5 =	simm.s32 @!p2 $0x0  }
0x1d: {  	s5 =	simm.s32 @p1 $0x1;
	p0 =	seq.s32 s7, s2  }
0x1e: {  	s7 =	smul.u32 @!p0 $0xF7A, s2;
	p2 =	seq.s32 @!p0 s5, $0x0  }
0x1f: {  	s9 =	smul.u32 $0xF7A, s1;
	s8 =	simm.s32 @!p0 $0x1BF5;
	p2 =	por !p2, p0  }
0x20: {  	[sflag:s8] =	ssyncset.s32 @!p0 $0xFFFFF086;
	s6 =	sadd.s32 @!p0 s3, s7;
	s7 =	simm.s32 @!p0 $0x108  }
0x21: {  	s3 =	sadd.s32 s3, s9;
	s6 =	sadd.s32 @!p0 $0x88, s6;
	s7 =	simm.s32 @p2 $0x1082  }
0x22: {  	[simem:s7], [sflag:s8] =	dma.local @!p0 [hbm:s6], $0xF7A  }
0x23: {  	s9 =	sor.u32 $0xD0000000, s2;
	s6 =	simm.s32 $0x108;
	_ =	swait.ge @!p0 [sflag:s8], $0x0  }
0x24: {  	s3 =	sadd.s32 $0x88, s3;
	s6 =	simm.s32 @!p1 $0x1082;
	[sflag:s4] =	ssyncset.s32 $0xFFFFF086  }
0x25: {  	[simem:s6], [sflag:s4] =	dma.local [hbm:s3], $0xF7A  }
0x26: {  	[smem:$0x3F9B] =	sst s1;
	(tag) =	ssettag s2;
	_ =	strace s9  }
0x27: {  	s1 =	sld [smem:$0x3FAB]  }
0x28: {  	s2 =	sld [smem:$0x3FAC]  }
0x29: {  	s4 =	sld [smem:$0x3FAE]  }
0x2a: {  	p0 =	seq.s32 s5, $0x0;
	s5 =	sld [smem:$0x3FAF]  }
0x2b: {  	s6 =	sld [smem:$0x3FB0]  }
0x2c: {  	s7 =	sld [smem:$0x3FB1]  }
0x2d: {  	s3 =	simm.s32 $0x108;
	s8 =	sld [smem:$0x3FB2]  }
0x2e: {  	s3 =	simm.s32 @!p0 $0x1082;
	s9 =	sld [smem:$0x3FB3]  }
0x2f: {  	lr =	sadd.s32 s0, s3;
	s0 =	sld [smem:$0x3FAA]  }
0x30: {  	s3 =	sld [smem:$0x3FAD]  }
0x31: {  	[smem:$0x3FB6] =	sst s10  }
0x32: {  	s10 =	sld [smem:$0x3FB4];
	_ =	sdelay $0x3  }
0x33: {  	p0 =	seq.s32 s10, $0x1;
	s10 =	sld [smem:$0x3FB6];
	_ =	sdelay $0x3  }
0x34: {  	[smem:$0x3FB6] =	sst s10  }
0x35: {  	s10 =	sld [smem:$0x3FB5];
	_ =	sdelay $0x3  }
0x36: {  	p1 =	seq.s32 s10, $0x1;
	s10 =	sld [smem:$0x3FB6];
	_ =	sdelay $0x3  }
0x37: {  	[smem:$0x3FB6] =	sst s10  }
0x38: {  	s10 =	sld [smem:$0x3FB7]  }
0x39: {  	_ = 	snop;
	(pc) =	sbr.ind lr, $3  }
0x3a: {  	_ = 	snop  }
0x3b: {  	_ = 	snop  }
0x3c: {  	p2 =	seq.s32 s10, $0x1;
	s10 =	sld [smem:$0x3FB6]  }
0x3d: {  	_ =	shalt  }
0x3e: {  	_ =	shalt  }
0x3f: {  	_ =	shalt  }
0x40: {  	_ =	shalt  }
0x41: {  	_ =	shalt  }
0x42: {  	_ =	shalt  }
0x43: {  	_ =	shalt  }
0x44: {  	_ =	shalt  }
0x45: {  	_ =	shalt  }
0x46: {  	_ =	shalt  }
0x47: {  	_ =	shalt  }
0x48: {  	_ =	shalt  }
0x49: {  	_ =	shalt  }
0x4a: {  	_ =	shalt  }
0x4b: {  	_ =	shalt  }
0x4c: {  	_ =	shalt  }
0x4d: {  	_ =	shalt  }
0x4e: {  	_ =	shalt  }
0x4f: {  	_ =	shalt  }
0x50: {  	_ =	shalt  }
0x51: {  	_ =	shalt  }
0x52: {  	_ =	shalt  }
0x53: {  	_ =	shalt  }
0x54: {  	_ =	shalt  }
0x55: {  	_ =	shalt  }
0x56: {  	_ =	shalt  }
0x57: {  	_ =	shalt  }
0x58: {  	_ =	shalt  }
0x59: {  	_ =	shalt  }
0x5a: {  	_ =	shalt  }
0x5b: {  	_ =	shalt  }
0x5c: {  	_ =	shalt  }
0x5d: {  	_ =	shalt  }
0x5e: {  	_ =	shalt  }
0x5f: {  	_ =	shalt  }
0x60: {  	_ =	shalt  }
0x61: {  	_ =	shalt  }
0x62: {  	_ =	shalt  }
0x63: {  	_ =	shalt  }
0x64: {  	_ =	shalt  }
0x65: {  	_ =	shalt  }
0x66: {  	_ =	shalt  }
0x67: {  	_ =	shalt  }
0x68: {  	_ =	shalt  }
0x69: {  	_ =	shalt  }
0x6a: {  	_ =	shalt  }
0x6b: {  	_ =	shalt  }
0x6c: {  	_ =	shalt  }
0x6d: {  	_ =	shalt  }
0x6e: {  	_ =	shalt  }
0x6f: {  	_ =	shalt  }
0x70: {  	_ =	shalt  }
0x71: {  	_ =	shalt  }
0x72: {  	_ =	shalt  }
0x73: {  	_ =	shalt  }
0x74: {  	_ =	shalt  }
0x75: {  	_ =	shalt  }
0x76: {  	_ =	shalt  }
0x77: {  	_ =	shalt  }
0x78: {  	_ =	shalt  }
0x79: {  	_ =	shalt  }
0x7a: {  	_ =	shalt  }
0x7b: {  	_ =	shalt  }
0x7c: {  	_ =	shalt  }
0x7d: {  	_ =	shalt  }
0x7e: {  	_ =	shalt  }
0x7f: {  	_ =	shalt  }
0x80: {  	_ =	shalt  }
0x81: {  	_ =	shalt  }
0x82: {  	_ =	shalt  }
0x83: {  	_ =	shalt  }
0x84: {  	_ =	shalt  }
0x85: {  	_ =	shalt  }
0x86: {  	_ =	shalt  }
0x87: {  	_ =	shalt  }
.Lfunc_end0:
.L_simem_size_0:
called_computation_lowered:
.L_overlay_start_0:
0x88: {  	s2 =	sld [smem:$0x3FD9]  }
0x89: {  	s3 =	sld [smem:$0x3FFE];
	_ =	sdelay $0x1  }
0x8a: {  	s1 =	srdreg.scid  }
0x8b: {  	s0 =	sand.u32 $0x1, s1  }
0x8c: {  	s17 =	sshll.u32 s0, $0xA;
	s2 =	sadd.s32 s3, s2  }
0x8d: {  	s2 =	sadd.s32 s2, s17  }
0x8e: {  	[smem:$0x3FC2] =	sst s2  }
0x8f: {  	_ = 	snop  }
0x90: {  	s2 =	sld [smem:$0x3FD0];
	(tm) =	ssettm $0x1  }
0x91: {  	s18 =	sld [smem:$0x3FFB];
	_ =	sdelay $0x3  }
0x92: {  	_ =	strace s18  }
0x93: {  	s3 =	sld [smem:$0x3FFC];
	_ =	sdelay $0x3  }
0x94: {  	_ =	strace s3  }
0x95: {  	s3 =	sld [smem:$0x3FFD];
	_ =	sdelay $0x3  }
0x96: {  	_ =	strace s3  }
0x97: {  	_ =	strace $0x8FFFFFFF  }
0x98: {  	s19 =	sld [smem:$0x3FDB];
	_ =	sdelay $0x1  }
0x99: {  	s4 =	simm.s32 $_scs_section_size  }
0x9a: {  	s5 =	simm.s32 $_size__tile_overlayer_lowered;
	s6 =	simm.s32 $_tile_overlayer_lowered  }
0x9b: {  	s22 =	simm.s32 $0x1BFF;
	s21 =	sshll.u32 s6, $0x1;
	s3 =	sadd.s32 s4, s19  }
0x9c: {  	s7 =	simm.s32 $0x0;
	s20 =	sshll.u32 s5, $0x1;
	s5 =	sadd.s32 s21, s3  }
0x9d: {  	[timem:s7], [sflag:s22] =	dma.local [hbm:s5], s20  }
0x9e: {  	_ =	swait.ge [sflag:s22], s20  }
0x9f: {  	s4 =	ssub.s32 $0x0, s20;
	[sflag:s22] =	ssyncset.done $0x0  }
0xa0: {  	[sflag:s22] =	ssyncadd.s32 s4;
	_ =	sdelay $0x1  }
0xa1: {  	s23 =	simm.s32 $0x1B8B  }
0xa2: {  	_ =	swait.ge [sflag:s23], $0x1  }
0xa3: {  	[sflag:s23] =	ssyncset.done $0x0  }
0xa4: {  	s25 =	simm.s32 $0x1B8E;
	s24 =	sld [smem:$0x3FFE];
	[sflag:s23] =	ssyncadd.s32 $0xFFFFFFFF  }
0xa5: {  	s26 =	simm.s32 $execute0_lowered;
	[smem:$0x3FD2] =	sst s25  }
0xa6: {  	s5 =	sshll.u32 s26, $0x1;
	_ =	strace $0x80000046;
	[dreg:$0x1] =	wrdreg $0xFFFFFFFF  }
0xa7: {  	s28 =	simm.s32 $_size_execute0_lowered;
	s3 =	sadd.s32 s3, s5;
	[dreg:$0x0] =	wrdreg $0x0  }
0xa8: {  	s5 =	sshll.u32 s28, $0x1;
	[dreg:$0x2] =	wrdreg s3  }
0xa9: {  	[dreg:$0x3] =	wrdreg s5  }
0xaa: {  	[dreg:$0x4] =	wrdreg $0xC0  }
0xab: {  	_ =	task [dreg:s7], $0x5FFFF  }
0xac: {  	[dreg:$0x1] =	wrdreg $0xFFFFFFFF  }
0xad: {  	[dreg:$0x0] =	wrdreg $0x60  }
0xae: {  	[dreg:$0x2] =	wrdreg s24  }
0xaf: {  	[dreg:$0x3] =	wrdreg s2  }
0xb0: {  	[dreg:$0x4] =	wrdreg $0x9  }
0xb1: {  	_ =	task.clear_ibuf [dreg:s7], $0x5FFFF;
	_ =	strace $0x90000046  }
0xb2: {  	s29 =	simm.s32 $0x9;
	_ =	strace $0x80000048  }
0xb3: {  	_ =	swait.ge [sflag:s29], $0x1  }
0xb4: {  	[sflag:s29] =	ssyncadd.s32 $0xFFFFFFFF  }
0xb5: {  	_ =	strace $0x90000048  }
0xb6: {  	_ =	sfence  }
0xb7: {  	s30 =	sld [smem:$0x0];
	_ =	sdelay $0x2  }
0xb8: {  	s31 =	sshll.u32 s1, $0xD;
	s1 =	sshrl.u32 s1, $0x2  }
0xb9: {  	s3 =	sand.u32 $0x4000, s31;
	s1 =	sadd.s32 s1, s30  }
0xba: {  	s0 =	sor.u32 s3, s0;
	s1 =	sshll.u32 s1, $0x11  }
0xbb: {  	s0 =	sor.u32 s1, s0  }
0xbc: {  	s0 =	sadd.s32 $0x8F2B, s0  }
0xbd: {  	[sflag:s0] =	ssyncadd.remote.s32 $0x1  }
0xbe: {  	_ =	sfence.sel $0xFFFF  }
0xbf: {  	[dreg:$0x0] =	wrdreg $0xFFFFFFFF;
	(pc) =	sbr.abs _section_cstart, $3  }
0xc0: {  	[dreg:$0x1] =	wrdreg $0xFFFFFFFF  }
0xc1: {  	_ =	task.clear_ibuf [dreg:s7], $0x2FFFF;
	_ =	strace $0x9FFFFFFF  }
0xc2: {  	(tm) =	ssettm $0x7FFFFFFF  }
0xc3: {  	_ =	shalt  }
tec
execute0_lowered:
.L_overlay_start_1:
0x0: {  	(tag) =	ssettag $0x1  }
0x1: {  	s0 =	rddreg [dreg:$0x0]  }
0x2: {  	s1 =	rddreg [dreg:$0x1]  }
0x3: {  	s3 =	srdreg.scid;
	s9 =	stileid.u32;
	s2 =	simm.s32 $0x0  }
0x4: {  	s13 =	simm.s32 $0x80;
	s29 =	simm.s32 $0x200;
	s30 =	simm.s32 $0xE400  }
0x5: {  	s31 =	simm.s32 $0x4D00;
	s11 =	simm.s32 $0x10400;
	s12 =	simm.s32 $0x4D80  }
0x6: {  	s14 =	simm.s32 $0x1B400;
	s15 =	simm.s32 $0x2;
	s16 =	simm.s32 $0x1  }
0x7: {  	s17 =	simm.s32 $0x40;
	s18 =	simm.s32 $0x60;
	s19 =	simm.s32 $0x20  }
0x8: {  	s20 =	simm.s32 $0x0;
	s5 =	sand.u32 $0x1, s3;
	s26 =	sshll.u32 s9, $0x1  }
0x9: {  	[smem:$0x7FF] =	sst s2;
	s4 =	sadd.s32 $0xE00, s0;
	s9 =	smul.u32 $0x25800, s9  }
0xa: {  	s3 =	sor.u32 s5, s26;
	_ =	strace $0x80000047;
	s10 =	smul.u32 $0x12C00, s5  }
0xb: {  	s7 =	ssub.s32 $0x2, s5;
	s6 =	smul.u32 $0x1900, s3;
	s3 =	sadd.s32 $0xF43200, s0  }
.Ltmp0:
0xc: {  	s8 =	sshrl.u32 s7, $0x1;
	s1 =	sadd.s32 s9, s1;
	(pc) =	sbr.rel .LBB2_1-.Ltmp0, $4  }
0xd: {  	s8 =	ssub.s32 s7, s8;
	s28 =	sadd.s32 s10, s1;
	s6 =	sshrl.u32 s6, $0x3  }
0xe: {  	s10 =	simm.s32 $0x3;
	s1 =	simm.s32 $0x280;
	s0 =	sadd.s32 s6, s0  }
0xf: {  	s8 =	smax.u32 s8, $0x1;
	s24 =	sadd.s32 $0x8, s28;
	s5 =	sadd.s32 $0xE600, s0  }
0x10: {  	s6 =	sadd.s32 $0x8200, s0;
	s7 =	sadd.s32 $0x1E00, s0;
	s0 =	simm.s32 $0x1A400  }
.LBB2_9:
0x11: {  	_ =	swait.ge [sflag:s15], $0x2000  }
0x12: {  	[sflag:s15] =	ssyncset.done $0x0  }
0x13: {  	[sflag:s15] =	ssyncadd.s32 $0xFFFFE000  }
0x14: {  	_ =	swait.ge [sflag:s15], $0x1000  }
0x15: {  	[sflag:s15] =	ssyncset.done $0x0  }
0x16: {  	[sflag:s15] =	ssyncadd.s32 $0xFFFFF000  }
0x17: {  	_ =	swait.ge [sflag:s15], $0x2000  }
0x18: {  	[sflag:s15] =	ssyncset.done $0x0  }
0x19: {  	[sflag:s15] =	ssyncadd.s32 $0xFFFFE000  }
0x1a: {  	_ =	swait.ge [sflag:s15], $0x1000  }
0x1b: {  	[sflag:s15] =	ssyncset.done $0x0  }
0x1c: {  	[sflag:s15] =	ssyncadd.s32 $0xFFFFF000  }
0x1d: {  	_ =	swait.ge [sflag:s15], $0x2000  }
0x1e: {  	[sflag:s15] =	ssyncset.done $0x0  }
0x1f: {  	[sflag:s15] =	ssyncadd.s32 $0xFFFFE000  }
0x20: {  	_ =	swait.ge [sflag:s15], $0x1000  }
0x21: {  	[sflag:s15] =	ssyncset.done $0x0  }
0x22: {  	[sflag:s15] =	ssyncadd.s32 $0xFFFFF000  }
0x23: {  	_ =	swait.ge [sflag:s15], $0x2000  }
0x24: {  	[sflag:s15] =	ssyncset.done $0x0  }
0x25: {  	[sflag:s15] =	ssyncadd.s32 $0xFFFFE000  }
0x26: {  	_ =	swait.ge [sflag:s15], $0x1000  }
0x27: {  	[sflag:s15] =	ssyncset.done $0x0  }
0x28: {  	[sflag:s15] =	ssyncadd.s32 $0xFFFFF000  }
0x29: {  	_ =	swait.ge [sflag:s15], $0x2000  }
0x2a: {  	[sflag:s15] =	ssyncset.done $0x0  }
0x2b: {  	[sflag:s15] =	ssyncadd.s32 $0xFFFFE000  }
0x2c: {  	_ =	swait.ge [sflag:s15], $0x1000  }
0x2d: {  	[sflag:s15] =	ssyncset.done $0x0  }
0x2e: {  	[sflag:s15] =	ssyncadd.s32 $0xFFFFF000  }
0x2f: {  	_ =	swait.ge [sflag:s15], $0x2000  }
0x30: {  	[sflag:s15] =	ssyncset.done $0x0  }
0x31: {  	[sflag:s15] =	ssyncadd.s32 $0xFFFFE000  }
0x32: {  	_ =	swait.ge [sflag:s15], $0x1000  }
0x33: {  	[sflag:s15] =	ssyncset.done $0x0  }
0x34: {  	[sflag:s15] =	ssyncadd.s32 $0xFFFFF000  }
0x35: {  	_ =	swait.ge [sflag:s15], $0x2000  }
0x36: {  	[sflag:s15] =	ssyncset.done $0x0  }
0x37: {  	[sflag:s15] =	ssyncadd.s32 $0xFFFFE000  }
0x38: {  	_ =	swait.ge [sflag:s15], $0x1000  }
0x39: {  	[sflag:s15] =	ssyncset.done $0x0  }
0x3a: {  	s20 =	sadd.s32 $0x1, s20;
	[sflag:s15] =	ssyncadd.s32 $0xFFFFF000  }
0x3b: {  	p0 =	sne.s32 s20, s8;
	_ =	swait.ge [sflag:s15], $0x2000  }
.Ltmp1:
0x3c: {  	[sflag:s15] =	ssyncset.done $0x0;
	(pc) =	sbr.rel @!p0 .LBB2_10-.Ltmp1, $4  }
0x3d: {  	[sflag:s15] =	ssyncadd.s32 $0xFFFFE000  }
0x3e: {  	_ =	swait.ge [sflag:s15], $0x1000  }
0x3f: {  	[sflag:s15] =	ssyncset.done $0x0  }
0x40: {  	[sflag:s15] =	ssyncadd.s32 $0xFFFFF000  }
.LBB2_1:
0x41: {  	[tilespmem:s2], [sflag:$0x3] =	stream.linear.gather [hbm4b:s5+s2], $0x1900, $0x38;
	[tilespmem:$0x1E400] =	vst v63  }
0x42: {  	_ =	swait.ge [sflag:s10], $0x1900  }
0x43: {  	[sflag:s10] =	ssyncset.done $0x0  }
0x44: {  	s9 =	simm.s32 $0x1900;
	[sflag:s10] =	ssyncadd.s32 $0xFFFFE700  }
0x45: {  	[tilespmem:s9], [sflag:$0x3] =	stream.linear.gather [hbm4b:s6+s2], $0x1900, $0x38;
	[tilespmem:$0x1E400] =	vst v63  }
0x46: {  	_ =	swait.ge [sflag:s10], $0x1900  }
0x47: {  	[sflag:s10] =	ssyncset.done $0x0  }
0x48: {  	s28 =	simm.s32 $0x3200;
	[sflag:s10] =	ssyncadd.s32 $0xFFFFE700  }
0x49: {  	[tilespmem:s28], [sflag:$0x3] =	stream.linear.gather [hbm4b:s7+s2], $0x1900, $0x38;
	[tilespmem:$0x1E400] =	vst v63  }
0x4a: {  	_ =	swait.ge [sflag:s10], $0x1900  }
0x4b: {  	[sflag:s10] =	ssyncset.done $0x0  }
0x4c: {  	s21 =	simm.s32 $0x0;
	[sflag:s10] =	ssyncadd.s32 $0xFFFFE700  }
0x4d: {  	v0 =	vld [tilespmem:s21+$0x1970]  }
0x4e: {  	v1 =	vld [tilespmem:s21+$0x1900]  }
0x4f: {  	v2 =	vld [tilespmem:s21+$0x3270]  }
0x50: {  	v3 =	vld [tilespmem:s21+$0x1910]  }
0x51: {  	v4 =	vld [tilespmem:s21+$0x1920]  }
0x52: {  	v6 =	vld [tilespmem:s21+$0x1930]  }
0x53: {  	v9 =	vld [tilespmem:s21+$0x1940];
	v0 =	vmul.u32 $0x14, v0  }
0x54: {  	v10 =	vld [tilespmem:s21+$0x1950]  }
0x55: {  	v11 =	vld [tilespmem:s21+$0x1960];
	v0 =	vadd.s32 v2, v0  }
0x56: {  	[tilespmem:s21+$0x4B70] =	vst v0;
	v0 =	vld [tilespmem:s21+$0x3200]  }
0x57: {  	v12 =	vld [tilespmem:s21+$0x3210]  }
0x58: {  	v7 =	vld [tilespmem:s21+$0x3220]  }
0x59: {  	v5 =	vld [tilespmem:s21+$0x3230];
	v1 =	vmul.u32 $0x14, v1  }
0x5a: {  	v13 =	vmul.u32 $0x14, v3;
	v8 =	vmul.u32 $0x14, v4;
	v2 =	vld [tilespmem:s21+$0x3240]  }
0x5b: {  	v3 =	vld [tilespmem:s21+$0x3250];
	v6 =	vmul.u32 $0x14, v6;
	v4 =	vmul.u32 $0x14, v9;
	v0 =	vadd.s32 v0, v1  }
0x5c: {  	s22 =	simm.s32 $0x80;
	s23 =	simm.s32 $0x400;
	v9 =	vld [tilespmem:s21+$0x3260];
	v1 =	vmul.u32 $0x14, v10;
	v10 =	vadd.s32 v12, v13;
	[tilespmem:s21+$0x4B00] =	vst v0;
	v0 =	vmul.u32 $0x14, v11  }
.LBB2_2:
0x5d: {  	p0 =	sne.s32 s23, $0x6200;
	v11 =	vld [tilespmem:s22+$0x1970];
	[tilespmem:s21+$0x4B10] =	vst v10;
	v7 =	vadd.s32 v7, v8  }
0x5e: {  	v8 =	vld [tilespmem:s22+$0x1900];
	[tilespmem:s21+$0x4B20] =	vst v7;
	v5 =	vadd.s32 v5, v6  }
0x5f: {  	v6 =	vld [tilespmem:s22+$0x3270];
	[tilespmem:s21+$0x4B30] =	vst v5;
	v2 =	vadd.s32 v2, v4  }
0x60: {  	v4 =	vld [tilespmem:s22+$0x1910];
	[tilespmem:s21+$0x4B40] =	vst v2;
	v1 =	vadd.s32 v3, v1  }
0x61: {  	v2 =	vld [tilespmem:s22+$0x1920];
	[tilespmem:s21+$0x4B50] =	vst v1;
	v0 =	vadd.s32 v9, v0  }
0x62: {  	v1 =	vld [tilespmem:s22+$0x1930];
	v3 =	vmul.u32 $0x14, v11;
	[tilespmem:s21+$0x4B60] =	vst v0;
	s21 =	smov.u32 s22  }
0x63: {  	v9 =	vmul.u32 $0x14, v8;
	v0 =	vld [tilespmem:s21+$0x1940]  }
0x64: {  	v10 =	vld [tilespmem:s21+$0x1950];
	v3 =	vadd.s32 v6, v3  }
0x65: {  	v11 =	vmul.u32 $0x14, v4;
	v12 =	vld [tilespmem:s21+$0x1960];
	[tilespmem:s21+$0x4B70] =	vst v3  }
0x66: {  	v3 =	vld [tilespmem:s21+$0x3200];
	v8 =	vmul.u32 $0x14, v2  }
0x67: {  	v13 =	vld [tilespmem:s21+$0x3210];
	v6 =	vmul.u32 $0x14, v1  }
.Ltmp2:
0x68: {  	v7 =	vld [tilespmem:s21+$0x3220];
	v4 =	vmul.u32 $0x14, v0;
	(pc) =	sbr.rel @p0 .LBB2_2-.Ltmp2, $4  }
0x69: {  	v5 =	vld [tilespmem:s21+$0x3230];
	v1 =	vmul.u32 $0x14, v10  }
0x6a: {  	v2 =	vld [tilespmem:s21+$0x3240];
	v0 =	vmul.u32 $0x14, v12  }
0x6b: {  	v9 =	vadd.s32 v3, v9;
	v3 =	vld [tilespmem:s21+$0x3250]  }
0x6c: {  	s22 =	sshra.s32 s23, $0x2;
	s23 =	sadd.s32 $0x200, s23;
	[tilespmem:s21+$0x4B00] =	vst v9;
	v10 =	vadd.s32 v13, v11;
	v9 =	vld [tilespmem:s21+$0x3260]  }
0x6d: {  	v11 =	vld [tilespmem:s22+$0x1970];
	[tilespmem:s21+$0x4B10] =	vst v10;
	v7 =	vadd.s32 v7, v8  }
0x6e: {  	v45 =	vld [tilespmem:s22+$0x1900];
	[tilespmem:s21+$0x4B20] =	vst v7;
	v5 =	vadd.s32 v5, v6  }
0x6f: {  	v46 =	vld [tilespmem:s22+$0x3270];
	[tilespmem:s21+$0x4B30] =	vst v5;
	v2 =	vadd.s32 v2, v4  }
0x70: {  	v47 =	vld [tilespmem:s22+$0x1910];
	[tilespmem:s21+$0x4B40] =	vst v2;
	v1 =	vadd.s32 v3, v1  }
0x71: {  	v2 =	vld [tilespmem:s22+$0x1920];
	[tilespmem:s21+$0x4B50] =	vst v1;
	v0 =	vadd.s32 v9, v0  }
0x72: {  	v1 =	vld [tilespmem:s22+$0x1930];
	[tilespmem:s21+$0x4B60] =	vst v0  }
0x73: {  	v49 =	vld [tilespmem:s22+$0x1940]  }
0x74: {  	v5 =	vld [tilespmem:s22+$0x1950]  }
0x75: {  	v50 =	vld [tilespmem:s22+$0x1960]  }
0x76: {  	v51 =	vld [tilespmem:s22+$0x3200]  }
0x77: {  	v7 =	vld [tilespmem:s22+$0x3210]  }
0x78: {  	v48 =	vmul.u32 $0x14, v11;
	v52 =	vld [tilespmem:s22+$0x3220]  }
0x79: {  	v8 =	vmul.u32 $0x14, v45;
	v10 =	vld [tilespmem:s22+$0x3230]  }
0x7a: {  	v53 =	vld [tilespmem:s22+$0x3240];
	v0 =	vadd.s32 v46, v48;
	v4 =	vmul.u32 $0x14, v47  }
0x7b: {  	v54 =	vld [tilespmem:s22+$0x3250];
	[tilespmem:s22+$0x4B70] =	vst v0;
	v2 =	vmul.u32 $0x14, v2;
	v0 =	vadd.s32 v51, v8  }
0x7c: {  	v57 =	vld [tilespmem:s22+$0x3260];
	v55 =	vmul.u32 $0x14, v1;
	v56 =	vadd.s32 v7, v4;
	[tilespmem:s22+$0x4B00] =	vst v0  }
0x7d: {  	v3 =	vmul.u32 $0x14, v49;
	v58 =	vadd.s32 v52, v2;
	[tilespmem:s22+$0x4B10] =	vst v56  }
0x7e: {  	v59 =	vmul.u32 $0x14, v5;
	[tilespmem:s22+$0x4B20] =	vst v58;
	v0 =	vadd.s32 v10, v55  }
0x7f: {  	v60 =	vmul.u32 $0x14, v50;
	[tilespmem:s22+$0x4B30] =	vst v0;
	v61 =	vadd.s32 v53, v3  }
0x80: {  	v62 =	vadd.s32 v54, v59;
	[tilespmem:s22+$0x4B40] =	vst v61  }
0x81: {  	v63 =	vadd.s32 v57, v60;
	[tilespmem:s22+$0x4B50] =	vst v62  }
0x82: {  	s9 =	simm.s32 $0x6400;
	[tilespmem:s22+$0x4B60] =	vst v63  }
0x83: {  	[tilespmem:s9], [sflag:$0x1] =	stream.indirect.gather [hbm4b:s3+s13], $0x40, s2, s13, $0xb8;
	[tilespmem:$0x1E400] =	vst v63  }
0x84: {  	s26 =	simm.s32 $0x4B00;
	s28 =	simm.s32 $0x16400  }
0x85: {  	[tilespmem:s28], [sflag:$0x1] =	stream.indirect.gather [hbm4b:s4+s13], $0x20, s26, s13, $0xb8;
	[tilespmem:$0x1E400] =	vst v63  }
0x86: {  	s22 =	simm.s32 $0x8400  }
0x87: {  	[tilespmem:s22], [sflag:$0x1] =	stream.indirect.gather [hbm4b:s3+s13], $0x40, s13, s13, $0xb8;
	[tilespmem:$0x1E400] =	vst v63  }
0x88: {  	s23 =	simm.s32 $0x4B80;
	s25 =	simm.s32 $0x17400  }
0x89: {  	[tilespmem:s25], [sflag:$0x1] =	stream.indirect.gather [hbm4b:s4+s13], $0x20, s23, s13, $0xb8;
	[tilespmem:$0x1E400] =	vst v63  }
0x8a: {  	s26 =	simm.s32 $0x100;
	s28 =	simm.s32 $0xA400  }
0x8b: {  	[tilespmem:s28], [sflag:$0x1] =	stream.indirect.gather [hbm4b:s3+s13], $0x40, s26, s13, $0xb8;
	[tilespmem:$0x1E400] =	vst v63  }
0x8c: {  	s21 =	simm.s32 $0x4C00;
	s22 =	simm.s32 $0x18400  }
0x8d: {  	[tilespmem:s22], [sflag:$0x1] =	stream.indirect.gather [hbm4b:s4+s13], $0x20, s21, s13, $0xb8;
	[tilespmem:$0x1E400] =	vst v63  }
0x8e: {  	s23 =	simm.s32 $0x180;
	s25 =	simm.s32 $0xC400  }
0x8f: {  	[tilespmem:s25], [sflag:$0x1] =	stream.indirect.gather [hbm4b:s3+s13], $0x40, s23, s13, $0xb8;
	[tilespmem:$0x1E400] =	vst v63  }
0x90: {  	s26 =	simm.s32 $0x4C80;
	s28 =	simm.s32 $0x19400  }
0x91: {  	[tilespmem:s28], [sflag:$0x1] =	stream.indirect.gather [hbm4b:s4+s13], $0x20, s26, s13, $0xb8;
	[tilespmem:$0x1E400] =	vst v63  }
0x92: {  	_ = 	snop  }
0x93: {  	[tilespmem:s30], [sflag:$0x1] =	stream.indirect.gather [hbm4b:s3+s13], $0x40, s29, s13, $0xb8;
	[tilespmem:$0x1E400] =	vst v63  }
0x94: {  	_ = 	snop  }
0x95: {  	[tilespmem:s0], [sflag:$0x1] =	stream.indirect.gather [hbm4b:s4+s13], $0x20, s31, s13, $0xb8;
	[tilespmem:$0x1E400] =	vst v63  }
.Ltmp3:
0x96: {  	_ = 	snop;
	(pc) =	sbr.rel .LBB2_4-.Ltmp3, $4  }
0x97: {  	s9 =	smov.u32 s24  }
0x98: {  	[tilespmem:s11], [sflag:$0x1] =	stream.indirect.gather [hbm4b:s3+s13], $0x40, s1, s13, $0xb8;
	[tilespmem:$0x1E400] =	vst v63  }
0x99: {  	s21 =	simm.s32 $0xFFFFFFFE;
	s22 =	simm.s32 $0x300;
	s23 =	simm.s32 $0x4E00  }
0x9a: {  	[tilespmem:s14], [sflag:$0x1] =	stream.indirect.gather [hbm4b:s4+s13], $0x20, s12, s13, $0xb8;
	[tilespmem:$0x1E400] =	vst v63  }
.LBB2_5:
0x9b: {  	_ =	swait.ge [sflag:s15], $0x2000  }
0x9c: {  	[sflag:s15] =	ssyncset.done $0x0  }
0x9d: {  	[sflag:s15] =	ssyncadd.s32 $0xFFFFE000  }
0x9e: {  	_ =	swait.ge [sflag:s15], $0x1000  }
0x9f: {  	[sflag:s15] =	ssyncset.done $0x0  }
0xa0: {  	[sflag:s15] =	ssyncadd.s32 $0xFFFFF000  }
.LBB2_7:
0xa1: {  	s26 =	sadd.s32 $0x8, s21  }
0xa2: {  	s26 =	sand.u32 $0x7, s26  }
0xa3: {  	s28 =	sshll.u32 s26, $0xD  }
0xa4: {  	s26 =	sshll.u32 s26, $0xC;
	s28 =	sadd.s32 $0x6400, s28  }
0xa5: {  	[tilespmem:s28], [sflag:$0x1] =	stream.indirect.gather [hbm4b:s3+s13], $0x40, s22, s13, $0xb8;
	[tilespmem:$0x1E400] =	vst v63  }
0xa6: {  	s26 =	sadd.s32 $0x16400, s26  }
0xa7: {  	[tilespmem:s26], [sflag:$0x1] =	stream.indirect.gather [hbm4b:s4+s13], $0x20, s23, s13, $0xb8;
	[tilespmem:$0x1E400] =	vst v63  }
.LBB2_8:
0xa8: {  	_ =	swait.ge [sflag:s16], $0x2000  }
0xa9: {  	[sflag:s16] =	ssyncset.done $0x0  }
0xaa: {  	s25 =	sand.u32 $0x7, s25;
	s28 =	sadd.s32 $0xFFFFFFF8, s9;
	[sflag:s16] =	ssyncadd.s32 $0xFFFFE000  }
0xab: {  	s21 =	sadd.s32 $0x1, s21;
	s26 =	sshll.u32 s25, $0xC;
	_ =	swait.ge [sflag:s16], $0x1000  }
0xac: {  	s25 =	sshll.u32 s25, $0xD;
	p0 =	sne.s32 s21, $0x30;
	[sflag:s16] =	ssyncset.done $0x0  }
.Ltmp4:
0xad: {  	s25 =	sadd.s32 $0x6400, s25;
	[sflag:s16] =	ssyncadd.s32 $0xFFFFF000;
	(pc) =	sbr.rel @!p0 .LBB2_9-.Ltmp4, $4  }
0xae: {  	[hbm4b:s28+s17] =	stream.strided.scatter [tilespmem:s25], [sflag:$0x2], $0x2000, s18, s17, $0x38;
	[tilespmem:$0x1E400] =	vst v63  }
0xaf: {  	s28 =	sadd.s32 $0x16400, s26  }
0xb0: {  	[hbm4b:s9+s19] =	stream.strided.scatter [tilespmem:s28], [sflag:$0x2], $0x1000, s18, s19, $0x38;
	[tilespmem:$0x1E400] =	vst v63  }
0xb1: {  	s22 =	sadd.s32 $0x80, s22;
	s23 =	sadd.s32 $0x80, s23;
	s9 =	sadd.s32 $0x600, s9  }
.LBB2_4:
0xb2: {  	p0 =	sgt.u32 s21, $0x29  }
.Ltmp5:
0xb3: {  	_ = 	snop;
	(pc) =	sbr.rel @!p0 .LBB2_5-.Ltmp5, $2  }
0xb4: {  	_ =	sdelay $0x2  }
0xb5: {  	s25 =	sadd.s32 $0x2, s21  }
0xb6: {  	p0 =	sgt.u32 s25, $0x2B  }
.Ltmp6:
0xb7: {  	_ = 	snop;
	(pc) =	sbr.rel @p0 .LBB2_8-.Ltmp6, $4  }
.Ltmp7:
0xb8: {  	_ = 	snop;
	(pc) =	sbr.rel @!p0 .LBB2_7-.Ltmp7, $4  }
0xb9: {  	_ = 	snop  }
0xba: {  	_ = 	snop  }
0xbb: {  	_ = 	snop  }
0xbc: {  	_ = 	snop  }
.LBB2_10:
0xbd: {  	_ =	sfence.sel $0x180000  }
0xbe: {  	[bflag:$0x0] =	sbarrier.arrive $0xFFFF  }
0xbf: {  	_ =	strace $0x90000047  }
0xc0: {  	s0 =	stileid.u32;
	[bflag:$0x2] =	sbarrier.arrive $0xFFFF  }
0xc1: {  	p0 =	sne.s32 s0, $0x0;
	s0 =	rddreg [dreg:$0x2]  }
0xc2: {  	s0 =	sadd.s32 @!p0 $0x100000, s0  }
0xc3: {  	[sflag:s0] =	ssyncadd.tile.s32 @!p0 $0x1;
	_ =	shalt  }
.Lfunc_end2:
_tile_overlayer_lowered:
.L_overlay_start_2:
0xc4: {  	(tag) =	ssettag $0x2  }
0xc5: {  	s0 =	rddreg [dreg:$0x0];
	s2 =	stileid.u32  }
0xc6: {  	s1 =	rddreg [dreg:$0x1];
	p0 =	sne.s32 s2, $0x0  }
0xc7: {  	s3 =	rddreg [dreg:$0x2];
	[bflag:$0x3] =	sbarrier.arrive $0xFFFF;
	s2 =	simm.s32 @!p0 $0x1C03  }
0xc8: {  	[timem:s3], [sflag:s2] =	dma.local @!p0 [hbm:s0], s1  }
0xc9: {  	s0 =	simm.s32 @!p0 $0x3  }
0xca: {  	_ =	swait.ge @!p0 [sflag:s0], s1  }
0xcb: {  	s1 =	ssub.s32 @!p0 $0x0, s1;
	[sflag:s0] =	ssyncset.done @!p0 $0x0  }
0xcc: {  	[sflag:s0] =	ssyncadd.s32 @!p0 s1  }
0xcd: {  	[bflag:$0x3] =	sbarrier.arrive $0xFFFF  }
0xce: {  	_ =	shalt  }

</sc_bundles>
